<compile_context>
chip_gen: v7x
topology: tpu7x:2x2x1
jax: 0.10.2.dev20260603
libtpu: 0.0.44.dev20260713+nightly
codegen_flags: <defaults>
</compile_context>

<pallas_src>
import functools

import jax
import jax.numpy as jnp
from jax import lax
from jax.experimental import pallas as pl
from jax.experimental.pallas import tpu as pltpu
from jax.experimental.pallas import tpu_sc as plsc

BATCH = 16384
EMBED_DIM = 32
LANES = 16
NROWS = 1000000
NBLK = 128
FG = 8
NFG = EMBED_DIM // FG

_info = plsc.get_sparse_core_info()
NC, NS = _info.num_cores, _info.num_subcores
NW = NC * NS
BPW = BATCH // NW
CH = 4
NCHUNK = BPW // CH
TPC = CH * NFG


def _mf_body(uids, iids, eut, eit, bu, bi, gb, out,
             uid_v, iid_v, utiles, itiles,
             bu_v, bi_v, gb_v, outf_v, out_v,
             sem_u, sem_i, sem_bu, sem_bi):
    wid = lax.axis_index("s") * NC + lax.axis_index("c")
    base = wid * BPW

    pltpu.sync_copy(uids.at[pl.ds(base, BPW)], uid_v)
    pltpu.sync_copy(iids.at[pl.ds(base, BPW)], iid_v)

    cbu = pltpu.async_copy(bu.at[uid_v], bu_v, sem_bu)
    cbi = pltpu.async_copy(bi.at[iid_v], bi_v, sem_bi)
    pltpu.sync_copy(gb, gb_v.at[pl.ds(0, 1)])

    lanes = lax.iota(jnp.int32, LANES)
    quad = jnp.right_shift(lanes, 2)

    def read_ids(c):
        uvec = plsc.load_gather(uid_v, [c * CH + quad])
        ivec = plsc.load_gather(iid_v, [c * CH + quad])
        return uvec, ivec

    def issue(c, buf):
        uvec, ivec = read_ids(c)
        for n in range(CH):
            uid = uvec[4 * n]
            iid = ivec[4 * n]
            uoff = pl.multiple_of(jnp.right_shift(uid, 7) * NBLK, NBLK)
            ioff = pl.multiple_of(jnp.right_shift(iid, 7) * NBLK, NBLK)
            pltpu.async_copy(
                eut.at[pl.ds(0, EMBED_DIM), pl.ds(uoff, NBLK)],
                utiles.at[buf, n], sem_u)
            pltpu.async_copy(
                eit.at[pl.ds(0, EMBED_DIM), pl.ds(ioff, NBLK)],
                itiles.at[buf, n], sem_i)

    issue(0, 0)
    issue(1, 1)
    issue(2, 2)

    def chunk_body(g, acc):
        buf = lax.rem(g, 3)
        pltpu.make_async_copy(
            eut.at[pl.ds(0, EMBED_DIM), pl.ds(0, CH * NBLK)],
            utiles.at[buf], sem_u).wait()
        pltpu.make_async_copy(
            eit.at[pl.ds(0, EMBED_DIM), pl.ds(0, CH * NBLK)],
            itiles.at[buf], sem_i).wait()

        bufv = jnp.full((LANES,), buf, jnp.int32)
        uvec, ivec = read_ids(g)
        for n in range(CH):
            nv = jnp.full((LANES,), n, jnp.int32)
            ucol = jnp.full((LANES,), uvec[4 * n] & (NBLK - 1), jnp.int32)
            icol = jnp.full((LANES,), ivec[4 * n] & (NBLK - 1), jnp.int32)
            u_lo = plsc.load_gather(utiles, [bufv, nv, lanes, ucol])
            u_hi = plsc.load_gather(utiles, [bufv, nv, LANES + lanes, ucol])
            i_lo = plsc.load_gather(itiles, [bufv, nv, lanes, icol])
            i_hi = plsc.load_gather(itiles, [bufv, nv, LANES + lanes, icol])
            s = jnp.sum(u_lo * i_lo + u_hi * i_hi)
            acc = jnp.where(lanes == (g & 3) * CH + n, s, acc)

        @pl.when((g & 3) == 3)
        def _():
            outf_v[pl.ds(jnp.right_shift(g, 2) * LANES, LANES)] = acc

        @pl.when(g < NCHUNK - 3)
        def _():
            issue(g + 3, buf)

        return jnp.where((g & 3) == 3, jnp.zeros((LANES,), jnp.float32), acc)

    lax.fori_loop(0, NCHUNK, chunk_body, jnp.zeros((LANES,), jnp.float32))

    cbu.wait()
    cbi.wait()
    gbs = gb_v[...][0]

    def finish(k, carry):
        o = k * LANES
        out_v[pl.ds(o, LANES)] = (outf_v[pl.ds(o, LANES)]
                                  + bu_v[pl.ds(o, LANES)]
                                  + bi_v[pl.ds(o, LANES)] + gbs)
        return carry

    lax.fori_loop(0, BPW // LANES, finish, 0)
    pltpu.sync_copy(out_v, out.at[pl.ds(base, BPW)])


@jax.jit
def _mf(user_ids, item_ids, embedding_users, embedding_items,
        bias_users, bias_items, global_bias):
    mesh = plsc.VectorSubcoreMesh(core_axis_name="c", subcore_axis_name="s")
    run = pl.kernel(
        _mf_body,
        mesh=mesh,
        out_type=jax.ShapeDtypeStruct((BATCH,), jnp.float32),
        compiler_params=pltpu.CompilerParams(
            needs_layout_passes=False, use_tc_tiling_on_sc=True),
        scratch_types=[
            pltpu.VMEM((BPW,), jnp.int32),
            pltpu.VMEM((BPW,), jnp.int32),
            pltpu.VMEM((3, CH, EMBED_DIM, NBLK), jnp.float32),
            pltpu.VMEM((3, CH, EMBED_DIM, NBLK), jnp.float32),
            pltpu.VMEM((BPW,), jnp.float32),
            pltpu.VMEM((BPW,), jnp.float32),
            pltpu.VMEM((LANES,), jnp.float32),
            pltpu.VMEM((BPW,), jnp.float32),
            pltpu.VMEM((BPW,), jnp.float32),
            pltpu.SemaphoreType.DMA,
            pltpu.SemaphoreType.DMA,
            pltpu.SemaphoreType.DMA,
            pltpu.SemaphoreType.DMA,
        ],
    )
    return run(user_ids, item_ids, embedding_users.T, embedding_items.T,
               bias_users, bias_items, global_bias)


def kernel(user_ids, item_ids, embedding_users, embedding_items,
           bias_users, bias_items, global_bias):
    return _mf(user_ids, item_ids, embedding_users, embedding_items,
               bias_users, bias_items, global_bias)

# --- scband reference (transcript-rebuilt; emitter-appended) ---
"""Pipeline reference for scband-mf-71743133712567 (READ-ONLY COPY).

The authoritative reference and input builder live on the scoring server;
editing this copy changes nothing except your own understanding.
"""

import jax, jax.numpy as jnp
import numpy as np

NUM_USERS = 1000000
NUM_ITEMS = 1000000
EMBED_DIM = 32
BATCH = 16384


def setup_inputs(seed: int = 0) -> dict:
    key = jax.random.key(seed)
    k1, k2, k3, k4 = jax.random.split(key, 4)
    user_ids = jax.random.randint(k1, (BATCH,), 0, NUM_USERS, dtype=jnp.int64 if jax.config.jax_enable_x64 else jnp.int32).astype(jnp.int32)
    item_ids = jax.random.randint(k2, (BATCH,), 0, NUM_ITEMS, dtype=jnp.int32)
    stddev = 1.0 / np.square(EMBED_DIM)
    embedding_users = jax.random.truncated_normal(k3, -2.0, 2.0, (NUM_USERS, EMBED_DIM), dtype=jnp.float32) * stddev
    embedding_items = jax.random.truncated_normal(k4, -2.0, 2.0, (NUM_ITEMS, EMBED_DIM), dtype=jnp.float32) * stddev
    bias_users = jnp.zeros((NUM_USERS,), dtype=jnp.float32)
    bias_items = jnp.zeros((NUM_ITEMS,), dtype=jnp.float32)
    global_bias = jnp.zeros((1,), dtype=jnp.float32)
    return {
        "user_ids": user_ids,
        "item_ids": item_ids,
        "embedding_users": embedding_users,
        "embedding_items": embedding_items,
        "bias_users": bias_users,
        "bias_items": bias_items,
        "global_bias": global_bias,
    }


def reference(user_ids, item_ids, embedding_users, embedding_items, bias_users, bias_items, global_bias):
    # MF.get_predict: embedding lookups + dot product + biases
    user_embedding = jnp.take(embedding_users, user_ids, axis=0)
    item_embedding = jnp.take(embedding_items, item_ids, axis=0)
    user_bias = jnp.take(bias_users, user_ids, axis=0)
    item_bias = jnp.take(bias_items, item_ids, axis=0)
    rating = jnp.sum(user_embedding * item_embedding, axis=1) + user_bias + item_bias + global_bias
    return rating

if __name__ == "__main__":
    import jax
    _d = setup_inputs()
    print(jax.jit(kernel)(*tuple(_d.values())))

</pallas_src>

<mosaic_0001>
#map = affine_map<(d0, d1) -> (0)>
#map1 = affine_map<(d0, d1) -> (0, 0)>
module attributes {stable_mosaic.version = 14 : i64} {
  func.func @_mf_body(%arg0: i32, %arg1: i32, %arg2: memref<16384xi32, #tpu.memory_space<hbm>>, %arg3: memref<16384xi32, #tpu.memory_space<hbm>>, %arg4: memref<32x1000000xf32, #tpu.memory_space<hbm>>, %arg5: memref<32x1000000xf32, #tpu.memory_space<hbm>>, %arg6: memref<1000000xf32, #tpu.memory_space<hbm>>, %arg7: memref<1000000xf32, #tpu.memory_space<hbm>>, %arg8: memref<1xf32, #tpu.memory_space<hbm>>, %arg9: memref<16384xf32, #tpu.memory_space<hbm>>, %arg10: memref<512xi32, #tpu.memory_space<vmem>>, %arg11: memref<512xi32, #tpu.memory_space<vmem>>, %arg12: memref<3x4x32x128xf32, #tpu.memory_space<vmem>>, %arg13: memref<3x4x32x128xf32, #tpu.memory_space<vmem>>, %arg14: memref<512xf32, #tpu.memory_space<vmem>>, %arg15: memref<512xf32, #tpu.memory_space<vmem>>, %arg16: memref<16xf32, #tpu.memory_space<vmem>>, %arg17: memref<512xf32, #tpu.memory_space<vmem>>, %arg18: memref<512xf32, #tpu.memory_space<vmem>>, %arg19: memref<!tpu.dma_semaphore, #tpu.memory_space<semaphore_mem>>, %arg20: memref<!tpu.dma_semaphore, #tpu.memory_space<semaphore_mem>>, %arg21: memref<!tpu.dma_semaphore, #tpu.memory_space<semaphore_mem>>, %arg22: memref<!tpu.dma_semaphore, #tpu.memory_space<semaphore_mem>>) attributes {dimension_semantics = [#tpu.dimension_semantics<core_parallel>, #tpu.dimension_semantics<subcore_parallel>], iteration_bounds = array<i64: 2, 16>, scalar_prefetch = 0 : i64, scratch_operands = 13 : i64, tpu.core_type = #tpu.core_type<sc_vector_subcore>, window_params = [{transform_indices = #map}, {transform_indices = #map}, {transform_indices = #map1}, {transform_indices = #map1}, {transform_indices = #map}, {transform_indices = #map}, {transform_indices = #map}, {transform_indices = #map}]} {
    %mul3A = arith.constant 2 : i32
    %mul3A_0 = arith.muli %arg1, %mul3A : i32
    %add3A = arith.addi %mul3A_0, %arg0 : i32
    %mul3A_1 = arith.constant 512 : i32
    %mul3A_2 = arith.muli %add3A, %mul3A_1 : i32
    "tpu.region"() ({
      %run_scoped3A = tpu.sem_alloc : memref<!tpu.dma_semaphore, #tpu.memory_space<semaphore_mem>>
      %dma_start3A_550 = tpu.memref_slice %arg2[%mul3A_2] : memref<16384xi32, #tpu.memory_space<hbm>> -> memref<512xi32, #tpu.memory_space<hbm>>
      %dma_start3A_551 = tpu.memref_slice %arg2[%mul3A_2] : memref<16384xi32, #tpu.memory_space<hbm>> -> memref<512xi32, #tpu.memory_space<hbm>>
      tpu.enqueue_dma source(%dma_start3A_551 : memref<512xi32, #tpu.memory_space<hbm>>) target(%arg10 : memref<512xi32, #tpu.memory_space<vmem>>) target_semaphore(%run_scoped3A : memref<!tpu.dma_semaphore, #tpu.memory_space<semaphore_mem>>)
      %dma_wait3A_552 = tpu.memref_slice %arg2[%mul3A_2] : memref<16384xi32, #tpu.memory_space<hbm>> -> memref<512xi32, #tpu.memory_space<hbm>>
      %dma_wait3A_553 = tpu.memref_slice %arg2[%mul3A_2] : memref<16384xi32, #tpu.memory_space<hbm>> -> memref<512xi32, #tpu.memory_space<hbm>>
      tpu.wait_dma2 semaphore(%run_scoped3A : memref<!tpu.dma_semaphore, #tpu.memory_space<semaphore_mem>>) src(%dma_wait3A_553 : memref<512xi32, #tpu.memory_space<hbm>>) dst(%arg10 : memref<512xi32, #tpu.memory_space<vmem>>)
      tpu.yield
    }) : () -> ()
    "tpu.region"() ({
      %run_scoped3A = tpu.sem_alloc : memref<!tpu.dma_semaphore, #tpu.memory_space<semaphore_mem>>
      %dma_start3A_550 = tpu.memref_slice %arg3[%mul3A_2] : memref<16384xi32, #tpu.memory_space<hbm>> -> memref<512xi32, #tpu.memory_space<hbm>>
      %dma_start3A_551 = tpu.memref_slice %arg3[%mul3A_2] : memref<16384xi32, #tpu.memory_space<hbm>> -> memref<512xi32, #tpu.memory_space<hbm>>
      tpu.enqueue_dma source(%dma_start3A_551 : memref<512xi32, #tpu.memory_space<hbm>>) target(%arg11 : memref<512xi32, #tpu.memory_space<vmem>>) target_semaphore(%run_scoped3A : memref<!tpu.dma_semaphore, #tpu.memory_space<semaphore_mem>>)
      %dma_wait3A_552 = tpu.memref_slice %arg3[%mul3A_2] : memref<16384xi32, #tpu.memory_space<hbm>> -> memref<512xi32, #tpu.memory_space<hbm>>
      %dma_wait3A_553 = tpu.memref_slice %arg3[%mul3A_2] : memref<16384xi32, #tpu.memory_space<hbm>> -> memref<512xi32, #tpu.memory_space<hbm>>
      tpu.wait_dma2 semaphore(%run_scoped3A : memref<!tpu.dma_semaphore, #tpu.memory_space<semaphore_mem>>) src(%dma_wait3A_553 : memref<512xi32, #tpu.memory_space<hbm>>) dst(%arg11 : memref<512xi32, #tpu.memory_space<vmem>>)
      tpu.yield
    }) : () -> ()
    %dma_start3A = arith.constant 0 : i32
    %dma_start3A_3 = tpu.memref_slice %arg6[%dma_start3A] : memref<1000000xf32, #tpu.memory_space<hbm>> -> memref<1000000xf32, #tpu.memory_space<hbm>>
    tpu.enqueue_indirect_dma source(%dma_start3A_3 : memref<1000000xf32, #tpu.memory_space<hbm>>) target(%arg14 : memref<512xf32, #tpu.memory_space<vmem>>) offsets(%arg10 : memref<512xi32, #tpu.memory_space<vmem>>) semaphore(%arg21 : memref<!tpu.dma_semaphore, #tpu.memory_space<semaphore_mem>>)
    %dma_start3A_4 = arith.constant 0 : i32
    %dma_start3A_5 = tpu.memref_slice %arg7[%dma_start3A_4] : memref<1000000xf32, #tpu.memory_space<hbm>> -> memref<1000000xf32, #tpu.memory_space<hbm>>
    tpu.enqueue_indirect_dma source(%dma_start3A_5 : memref<1000000xf32, #tpu.memory_space<hbm>>) target(%arg15 : memref<512xf32, #tpu.memory_space<vmem>>) offsets(%arg11 : memref<512xi32, #tpu.memory_space<vmem>>) semaphore(%arg22 : memref<!tpu.dma_semaphore, #tpu.memory_space<semaphore_mem>>)
    "tpu.region"() ({
      %run_scoped3A = tpu.sem_alloc : memref<!tpu.dma_semaphore, #tpu.memory_space<semaphore_mem>>
      %dma_start3A_550 = arith.constant 0 : i32
      %dma_start3A_551 = tpu.memref_slice %arg16[%dma_start3A_550] : memref<16xf32, #tpu.memory_space<vmem>> -> memref<1xf32, #tpu.memory_space<vmem>>
      %dma_start3A_552 = arith.constant 0 : i32
      %dma_start3A_553 = tpu.memref_slice %arg16[%dma_start3A_552] : memref<16xf32, #tpu.memory_space<vmem>> -> memref<1xf32, #tpu.memory_space<vmem>>
      tpu.enqueue_dma source(%arg8 : memref<1xf32, #tpu.memory_space<hbm>>) target(%dma_start3A_553 : memref<1xf32, #tpu.memory_space<vmem>>) target_semaphore(%run_scoped3A : memref<!tpu.dma_semaphore, #tpu.memory_space<semaphore_mem>>)
      %dma_wait3A_554 = arith.constant 0 : i32
      %dma_wait3A_555 = tpu.memref_slice %arg16[%dma_wait3A_554] : memref<16xf32, #tpu.memory_space<vmem>> -> memref<1xf32, #tpu.memory_space<vmem>>
      %dma_wait3A_556 = arith.constant 0 : i32
      %dma_wait3A_557 = tpu.memref_slice %arg16[%dma_wait3A_556] : memref<16xf32, #tpu.memory_space<vmem>> -> memref<1xf32, #tpu.memory_space<vmem>>
      tpu.wait_dma2 semaphore(%run_scoped3A : memref<!tpu.dma_semaphore, #tpu.memory_space<semaphore_mem>>) src(%arg8 : memref<1xf32, #tpu.memory_space<hbm>>) dst(%dma_wait3A_557 : memref<1xf32, #tpu.memory_space<vmem>>)
      tpu.yield
    }) : () -> ()
    %iota3A = tpu.iota {dimensions = array<i32: 0>} : vector<16xi32>
    %shift_right_arithmetic3A = arith.constant 2 : i32
    %shift_right_arithmetic3A_6 = vector.broadcast %shift_right_arithmetic3A : i32 to vector<16xi32>
    %shift_right_arithmetic3A_7 = arith.shrsi %iota3A, %shift_right_arithmetic3A_6 : vector<16xi32>
    %add3A_8 = arith.constant 0 : i32
    %add3A_9 = vector.broadcast %add3A_8 : i32 to vector<16xi32>
    %add3A_10 = arith.addi %add3A_9, %shift_right_arithmetic3A_7 : vector<16xi32>
    %gather3A = tpu.vector_load_idx %arg10[%add3A_10] : memref<512xi32, #tpu.memory_space<vmem>>[vector<16xi32>], vector<16xi32>,
    %add3A_11 = arith.constant 0 : i32
    %add3A_12 = vector.broadcast %add3A_11 : i32 to vector<16xi32>
    %add3A_13 = arith.addi %add3A_12, %shift_right_arithmetic3A_7 : vector<16xi32>
    %gather3A_14 = tpu.vector_load_idx %arg11[%add3A_13] : memref<512xi32, #tpu.memory_space<vmem>>[vector<16xi32>], vector<16xi32>,
    %slice3A = vector.extract_strided_slice %gather3A {offsets = [0], sizes = [1], strides = [1]} : vector<16xi32> to vector<1xi32>
    %squeeze3A = vector.extract %slice3A[0] : i32 from vector<1xi32>
    %slice3A_15 = vector.extract_strided_slice %gather3A_14 {offsets = [0], sizes = [1], strides = [1]} : vector<16xi32> to vector<1xi32>
    %squeeze3A_16 = vector.extract %slice3A_15[0] : i32 from vector<1xi32>
    %shift_right_arithmetic3A_17 = arith.constant 7 : i32
    %shift_right_arithmetic3A_18 = arith.shrsi %squeeze3A, %shift_right_arithmetic3A_17 : i32
    %mul3A_19 = arith.constant 128 : i32
    %mul3A_20 = arith.muli %shift_right_arithmetic3A_18, %mul3A_19 : i32
    %multiple_of3A = tpu.assume_multiple %mul3A_20, 128 : i32
    %shift_right_arithmetic3A_21 = arith.constant 7 : i32
    %shift_right_arithmetic3A_22 = arith.shrsi %squeeze3A_16, %shift_right_arithmetic3A_21 : i32
    %mul3A_23 = arith.constant 128 : i32
    %mul3A_24 = arith.muli %shift_right_arithmetic3A_22, %mul3A_23 : i32
    %multiple_of3A_25 = tpu.assume_multiple %mul3A_24, 128 : i32
    %dma_start3A_26 = arith.constant 0 : i32
    %dma_start3A_27 = arith.constant 0 : i32
    %dma_start3A_28 = arith.constant 0 : i32
    %dma_start3A_29 = arith.constant 0 : i32
    %dma_start3A_30 = tpu.memref_slice %arg12[%dma_start3A_26, %dma_start3A_27, %dma_start3A_28, %dma_start3A_29] : memref<3x4x32x128xf32, #tpu.memory_space<vmem>> -> memref<1x1x32x128xf32, #tpu.memory_space<vmem>>
    %dma_start3A_31 = tpu.memref_squeeze %dma_start3A_30 : memref<1x1x32x128xf32, #tpu.memory_space<vmem>> -> memref<32x128xf32, #tpu.memory_space<vmem>>
    %dma_start3A_32 = arith.constant 0 : i32
    %dma_start3A_33 = tpu.memref_slice %arg4[%dma_start3A_32, %multiple_of3A] : memref<32x1000000xf32, #tpu.memory_space<hbm>> -> memref<32x128xf32, #tpu.memory_space<hbm>>
    %dma_start3A_34 = arith.constant 0 : i32
    %dma_start3A_35 = arith.constant 0 : i32
    %dma_start3A_36 = tpu.memref_slice %arg12[%dma_start3A_26, %dma_start3A_27, %dma_start3A_34, %dma_start3A_35] : memref<3x4x32x128xf32, #tpu.memory_space<vmem>> -> memref<1x1x32x128xf32, #tpu.memory_space<vmem>>
    %dma_start3A_37 = tpu.memref_squeeze %dma_start3A_36 : memref<1x1x32x128xf32, #tpu.memory_space<vmem>> -> memref<32x128xf32, #tpu.memory_space<vmem>>
    %dma_start3A_38 = arith.constant 0 : i32
    %dma_start3A_39 = tpu.memref_slice %arg4[%dma_start3A_38, %multiple_of3A] : memref<32x1000000xf32, #tpu.memory_space<hbm>> -> memref<32x128xf32, #tpu.memory_space<hbm>>
    tpu.enqueue_dma source(%dma_start3A_39 : memref<32x128xf32, #tpu.memory_space<hbm>>) target(%dma_start3A_37 : memref<32x128xf32, #tpu.memory_space<vmem>>) target_semaphore(%arg19 : memref<!tpu.dma_semaphore, #tpu.memory_space<semaphore_mem>>)
    %dma_start3A_40 = arith.constant 0 : i32
    %dma_start3A_41 = arith.constant 0 : i32
    %dma_start3A_42 = arith.constant 0 : i32
    %dma_start3A_43 = arith.constant 0 : i32
    %dma_start3A_44 = tpu.memref_slice %arg13[%dma_start3A_40, %dma_start3A_41, %dma_start3A_42, %dma_start3A_43] : memref<3x4x32x128xf32, #tpu.memory_space<vmem>> -> memref<1x1x32x128xf32, #tpu.memory_space<vmem>>
    %dma_start3A_45 = tpu.memref_squeeze %dma_start3A_44 : memref<1x1x32x128xf32, #tpu.memory_space<vmem>> -> memref<32x128xf32, #tpu.memory_space<vmem>>
    %dma_start3A_46 = arith.constant 0 : i32
    %dma_start3A_47 = tpu.memref_slice %arg5[%dma_start3A_46, %multiple_of3A_25] : memref<32x1000000xf32, #tpu.memory_space<hbm>> -> memref<32x128xf32, #tpu.memory_space<hbm>>
    %dma_start3A_48 = arith.constant 0 : i32
    %dma_start3A_49 = arith.constant 0 : i32
    %dma_start3A_50 = tpu.memref_slice %arg13[%dma_start3A_40, %dma_start3A_41, %dma_start3A_48, %dma_start3A_49] : memref<3x4x32x128xf32, #tpu.memory_space<vmem>> -> memref<1x1x32x128xf32, #tpu.memory_space<vmem>>
    %dma_start3A_51 = tpu.memref_squeeze %dma_start3A_50 : memref<1x1x32x128xf32, #tpu.memory_space<vmem>> -> memref<32x128xf32, #tpu.memory_space<vmem>>
    %dma_start3A_52 = arith.constant 0 : i32
    %dma_start3A_53 = tpu.memref_slice %arg5[%dma_start3A_52, %multiple_of3A_25] : memref<32x1000000xf32, #tpu.memory_space<hbm>> -> memref<32x128xf32, #tpu.memory_space<hbm>>
    tpu.enqueue_dma source(%dma_start3A_53 : memref<32x128xf32, #tpu.memory_space<hbm>>) target(%dma_start3A_51 : memref<32x128xf32, #tpu.memory_space<vmem>>) target_semaphore(%arg20 : memref<!tpu.dma_semaphore, #tpu.memory_space<semaphore_mem>>)
    %slice3A_54 = vector.extract_strided_slice %gather3A {offsets = [4], sizes = [1], strides = [1]} : vector<16xi32> to vector<1xi32>
    %squeeze3A_55 = vector.extract %slice3A_54[0] : i32 from vector<1xi32>
    %slice3A_56 = vector.extract_strided_slice %gather3A_14 {offsets = [4], sizes = [1], strides = [1]} : vector<16xi32> to vector<1xi32>
    %squeeze3A_57 = vector.extract %slice3A_56[0] : i32 from vector<1xi32>
    %shift_right_arithmetic3A_58 = arith.constant 7 : i32
    %shift_right_arithmetic3A_59 = arith.shrsi %squeeze3A_55, %shift_right_arithmetic3A_58 : i32
    %mul3A_60 = arith.constant 128 : i32
    %mul3A_61 = arith.muli %shift_right_arithmetic3A_59, %mul3A_60 : i32
    %multiple_of3A_62 = tpu.assume_multiple %mul3A_61, 128 : i32
    %shift_right_arithmetic3A_63 = arith.constant 7 : i32
    %shift_right_arithmetic3A_64 = arith.shrsi %squeeze3A_57, %shift_right_arithmetic3A_63 : i32
    %mul3A_65 = arith.constant 128 : i32
    %mul3A_66 = arith.muli %shift_right_arithmetic3A_64, %mul3A_65 : i32
    %multiple_of3A_67 = tpu.assume_multiple %mul3A_66, 128 : i32
    %dma_start3A_68 = arith.constant 0 : i32
    %dma_start3A_69 = arith.constant 1 : i32
    %dma_start3A_70 = arith.constant 0 : i32
    %dma_start3A_71 = arith.constant 0 : i32
    %dma_start3A_72 = tpu.memref_slice %arg12[%dma_start3A_68, %dma_start3A_69, %dma_start3A_70, %dma_start3A_71] : memref<3x4x32x128xf32, #tpu.memory_space<vmem>> -> memref<1x1x32x128xf32, #tpu.memory_space<vmem>>
    %dma_start3A_73 = tpu.memref_squeeze %dma_start3A_72 : memref<1x1x32x128xf32, #tpu.memory_space<vmem>> -> memref<32x128xf32, #tpu.memory_space<vmem>>
    %dma_start3A_74 = arith.constant 0 : i32
    %dma_start3A_75 = tpu.memref_slice %arg4[%dma_start3A_74, %multiple_of3A_62] : memref<32x1000000xf32, #tpu.memory_space<hbm>> -> memref<32x128xf32, #tpu.memory_space<hbm>>
    %dma_start3A_76 = arith.constant 0 : i32
    %dma_start3A_77 = arith.constant 0 : i32
    %dma_start3A_78 = tpu.memref_slice %arg12[%dma_start3A_68, %dma_start3A_69, %dma_start3A_76, %dma_start3A_77] : memref<3x4x32x128xf32, #tpu.memory_space<vmem>> -> memref<1x1x32x128xf32, #tpu.memory_space<vmem>>
    %dma_start3A_79 = tpu.memref_squeeze %dma_start3A_78 : memref<1x1x32x128xf32, #tpu.memory_space<vmem>> -> memref<32x128xf32, #tpu.memory_space<vmem>>
    %dma_start3A_80 = arith.constant 0 : i32
    %dma_start3A_81 = tpu.memref_slice %arg4[%dma_start3A_80, %multiple_of3A_62] : memref<32x1000000xf32, #tpu.memory_space<hbm>> -> memref<32x128xf32, #tpu.memory_space<hbm>>
    tpu.enqueue_dma source(%dma_start3A_81 : memref<32x128xf32, #tpu.memory_space<hbm>>) target(%dma_start3A_79 : memref<32x128xf32, #tpu.memory_space<vmem>>) target_semaphore(%arg19 : memref<!tpu.dma_semaphore, #tpu.memory_space<semaphore_mem>>)
    %dma_start3A_82 = arith.constant 0 : i32
    %dma_start3A_83 = arith.constant 1 : i32
    %dma_start3A_84 = arith.constant 0 : i32
    %dma_start3A_85 = arith.constant 0 : i32
    %dma_start3A_86 = tpu.memref_slice %arg13[%dma_start3A_82, %dma_start3A_83, %dma_start3A_84, %dma_start3A_85] : memref<3x4x32x128xf32, #tpu.memory_space<vmem>> -> memref<1x1x32x128xf32, #tpu.memory_space<vmem>>
    %dma_start3A_87 = tpu.memref_squeeze %dma_start3A_86 : memref<1x1x32x128xf32, #tpu.memory_space<vmem>> -> memref<32x128xf32, #tpu.memory_space<vmem>>
    %dma_start3A_88 = arith.constant 0 : i32
    %dma_start3A_89 = tpu.memref_slice %arg5[%dma_start3A_88, %multiple_of3A_67] : memref<32x1000000xf32, #tpu.memory_space<hbm>> -> memref<32x128xf32, #tpu.memory_space<hbm>>
    %dma_start3A_90 = arith.constant 0 : i32
    %dma_start3A_91 = arith.constant 0 : i32
    %dma_start3A_92 = tpu.memref_slice %arg13[%dma_start3A_82, %dma_start3A_83, %dma_start3A_90, %dma_start3A_91] : memref<3x4x32x128xf32, #tpu.memory_space<vmem>> -> memref<1x1x32x128xf32, #tpu.memory_space<vmem>>
    %dma_start3A_93 = tpu.memref_squeeze %dma_start3A_92 : memref<1x1x32x128xf32, #tpu.memory_space<vmem>> -> memref<32x128xf32, #tpu.memory_space<vmem>>
    %dma_start3A_94 = arith.constant 0 : i32
    %dma_start3A_95 = tpu.memref_slice %arg5[%dma_start3A_94, %multiple_of3A_67] : memref<32x1000000xf32, #tpu.memory_space<hbm>> -> memref<32x128xf32, #tpu.memory_space<hbm>>
    tpu.enqueue_dma source(%dma_start3A_95 : memref<32x128xf32, #tpu.memory_space<hbm>>) target(%dma_start3A_93 : memref<32x128xf32, #tpu.memory_space<vmem>>) target_semaphore(%arg20 : memref<!tpu.dma_semaphore, #tpu.memory_space<semaphore_mem>>)
    %slice3A_96 = vector.extract_strided_slice %gather3A {offsets = [8], sizes = [1], strides = [1]} : vector<16xi32> to vector<1xi32>
    %squeeze3A_97 = vector.extract %slice3A_96[0] : i32 from vector<1xi32>
    %slice3A_98 = vector.extract_strided_slice %gather3A_14 {offsets = [8], sizes = [1], strides = [1]} : vector<16xi32> to vector<1xi32>
    %squeeze3A_99 = vector.extract %slice3A_98[0] : i32 from vector<1xi32>
    %shift_right_arithmetic3A_100 = arith.constant 7 : i32
    %shift_right_arithmetic3A_101 = arith.shrsi %squeeze3A_97, %shift_right_arithmetic3A_100 : i32
    %mul3A_102 = arith.constant 128 : i32
    %mul3A_103 = arith.muli %shift_right_arithmetic3A_101, %mul3A_102 : i32
    %multiple_of3A_104 = tpu.assume_multiple %mul3A_103, 128 : i32
    %shift_right_arithmetic3A_105 = arith.constant 7 : i32
    %shift_right_arithmetic3A_106 = arith.shrsi %squeeze3A_99, %shift_right_arithmetic3A_105 : i32
    %mul3A_107 = arith.constant 128 : i32
    %mul3A_108 = arith.muli %shift_right_arithmetic3A_106, %mul3A_107 : i32
    %multiple_of3A_109 = tpu.assume_multiple %mul3A_108, 128 : i32
    %dma_start3A_110 = arith.constant 0 : i32
    %dma_start3A_111 = arith.constant 2 : i32
    %dma_start3A_112 = arith.constant 0 : i32
    %dma_start3A_113 = arith.constant 0 : i32
    %dma_start3A_114 = tpu.memref_slice %arg12[%dma_start3A_110, %dma_start3A_111, %dma_start3A_112, %dma_start3A_113] : memref<3x4x32x128xf32, #tpu.memory_space<vmem>> -> memref<1x1x32x128xf32, #tpu.memory_space<vmem>>
    %dma_start3A_115 = tpu.memref_squeeze %dma_start3A_114 : memref<1x1x32x128xf32, #tpu.memory_space<vmem>> -> memref<32x128xf32, #tpu.memory_space<vmem>>
    %dma_start3A_116 = arith.constant 0 : i32
    %dma_start3A_117 = tpu.memref_slice %arg4[%dma_start3A_116, %multiple_of3A_104] : memref<32x1000000xf32, #tpu.memory_space<hbm>> -> memref<32x128xf32, #tpu.memory_space<hbm>>
    %dma_start3A_118 = arith.constant 0 : i32
    %dma_start3A_119 = arith.constant 0 : i32
    %dma_start3A_120 = tpu.memref_slice %arg12[%dma_start3A_110, %dma_start3A_111, %dma_start3A_118, %dma_start3A_119] : memref<3x4x32x128xf32, #tpu.memory_space<vmem>> -> memref<1x1x32x128xf32, #tpu.memory_space<vmem>>
    %dma_start3A_121 = tpu.memref_squeeze %dma_start3A_120 : memref<1x1x32x128xf32, #tpu.memory_space<vmem>> -> memref<32x128xf32, #tpu.memory_space<vmem>>
    %dma_start3A_122 = arith.constant 0 : i32
    %dma_start3A_123 = tpu.memref_slice %arg4[%dma_start3A_122, %multiple_of3A_104] : memref<32x1000000xf32, #tpu.memory_space<hbm>> -> memref<32x128xf32, #tpu.memory_space<hbm>>
    tpu.enqueue_dma source(%dma_start3A_123 : memref<32x128xf32, #tpu.memory_space<hbm>>) target(%dma_start3A_121 : memref<32x128xf32, #tpu.memory_space<vmem>>) target_semaphore(%arg19 : memref<!tpu.dma_semaphore, #tpu.memory_space<semaphore_mem>>)
    %dma_start3A_124 = arith.constant 0 : i32
    %dma_start3A_125 = arith.constant 2 : i32
    %dma_start3A_126 = arith.constant 0 : i32
    %dma_start3A_127 = arith.constant 0 : i32
    %dma_start3A_128 = tpu.memref_slice %arg13[%dma_start3A_124, %dma_start3A_125, %dma_start3A_126, %dma_start3A_127] : memref<3x4x32x128xf32, #tpu.memory_space<vmem>> -> memref<1x1x32x128xf32, #tpu.memory_space<vmem>>
    %dma_start3A_129 = tpu.memref_squeeze %dma_start3A_128 : memref<1x1x32x128xf32, #tpu.memory_space<vmem>> -> memref<32x128xf32, #tpu.memory_space<vmem>>
    %dma_start3A_130 = arith.constant 0 : i32
    %dma_start3A_131 = tpu.memref_slice %arg5[%dma_start3A_130, %multiple_of3A_109] : memref<32x1000000xf32, #tpu.memory_space<hbm>> -> memref<32x128xf32, #tpu.memory_space<hbm>>
    %dma_start3A_132 = arith.constant 0 : i32
    %dma_start3A_133 = arith.constant 0 : i32
    %dma_start3A_134 = tpu.memref_slice %arg13[%dma_start3A_124, %dma_start3A_125, %dma_start3A_132, %dma_start3A_133] : memref<3x4x32x128xf32, #tpu.memory_space<vmem>> -> memref<1x1x32x128xf32, #tpu.memory_space<vmem>>
    %dma_start3A_135 = tpu.memref_squeeze %dma_start3A_134 : memref<1x1x32x128xf32, #tpu.memory_space<vmem>> -> memref<32x128xf32, #tpu.memory_space<vmem>>
    %dma_start3A_136 = arith.constant 0 : i32
    %dma_start3A_137 = tpu.memref_slice %arg5[%dma_start3A_136, %multiple_of3A_109] : memref<32x1000000xf32, #tpu.memory_space<hbm>> -> memref<32x128xf32, #tpu.memory_space<hbm>>
    tpu.enqueue_dma source(%dma_start3A_137 : memref<32x128xf32, #tpu.memory_space<hbm>>) target(%dma_start3A_135 : memref<32x128xf32, #tpu.memory_space<vmem>>) target_semaphore(%arg20 : memref<!tpu.dma_semaphore, #tpu.memory_space<semaphore_mem>>)
    %slice3A_138 = vector.extract_strided_slice %gather3A {offsets = [12], sizes = [1], strides = [1]} : vector<16xi32> to vector<1xi32>
    %squeeze3A_139 = vector.extract %slice3A_138[0] : i32 from vector<1xi32>
    %slice3A_140 = vector.extract_strided_slice %gather3A_14 {offsets = [12], sizes = [1], strides = [1]} : vector<16xi32> to vector<1xi32>
    %squeeze3A_141 = vector.extract %slice3A_140[0] : i32 from vector<1xi32>
    %shift_right_arithmetic3A_142 = arith.constant 7 : i32
    %shift_right_arithmetic3A_143 = arith.shrsi %squeeze3A_139, %shift_right_arithmetic3A_142 : i32
    %mul3A_144 = arith.constant 128 : i32
    %mul3A_145 = arith.muli %shift_right_arithmetic3A_143, %mul3A_144 : i32
    %multiple_of3A_146 = tpu.assume_multiple %mul3A_145, 128 : i32
    %shift_right_arithmetic3A_147 = arith.constant 7 : i32
    %shift_right_arithmetic3A_148 = arith.shrsi %squeeze3A_141, %shift_right_arithmetic3A_147 : i32
    %mul3A_149 = arith.constant 128 : i32
    %mul3A_150 = arith.muli %shift_right_arithmetic3A_148, %mul3A_149 : i32
    %multiple_of3A_151 = tpu.assume_multiple %mul3A_150, 128 : i32
    %dma_start3A_152 = arith.constant 0 : i32
    %dma_start3A_153 = arith.constant 3 : i32
    %dma_start3A_154 = arith.constant 0 : i32
    %dma_start3A_155 = arith.constant 0 : i32
    %dma_start3A_156 = tpu.memref_slice %arg12[%dma_start3A_152, %dma_start3A_153, %dma_start3A_154, %dma_start3A_155] : memref<3x4x32x128xf32, #tpu.memory_space<vmem>> -> memref<1x1x32x128xf32, #tpu.memory_space<vmem>>
    %dma_start3A_157 = tpu.memref_squeeze %dma_start3A_156 : memref<1x1x32x128xf32, #tpu.memory_space<vmem>> -> memref<32x128xf32, #tpu.memory_space<vmem>>
    %dma_start3A_158 = arith.constant 0 : i32
    %dma_start3A_159 = tpu.memref_slice %arg4[%dma_start3A_158, %multiple_of3A_146] : memref<32x1000000xf32, #tpu.memory_space<hbm>> -> memref<32x128xf32, #tpu.memory_space<hbm>>
    %dma_start3A_160 = arith.constant 0 : i32
    %dma_start3A_161 = arith.constant 0 : i32
    %dma_start3A_162 = tpu.memref_slice %arg12[%dma_start3A_152, %dma_start3A_153, %dma_start3A_160, %dma_start3A_161] : memref<3x4x32x128xf32, #tpu.memory_space<vmem>> -> memref<1x1x32x128xf32, #tpu.memory_space<vmem>>
    %dma_start3A_163 = tpu.memref_squeeze %dma_start3A_162 : memref<1x1x32x128xf32, #tpu.memory_space<vmem>> -> memref<32x128xf32, #tpu.memory_space<vmem>>
    %dma_start3A_164 = arith.constant 0 : i32
    %dma_start3A_165 = tpu.memref_slice %arg4[%dma_start3A_164, %multiple_of3A_146] : memref<32x1000000xf32, #tpu.memory_space<hbm>> -> memref<32x128xf32, #tpu.memory_space<hbm>>
    tpu.enqueue_dma source(%dma_start3A_165 : memref<32x128xf32, #tpu.memory_space<hbm>>) target(%dma_start3A_163 : memref<32x128xf32, #tpu.memory_space<vmem>>) target_semaphore(%arg19 : memref<!tpu.dma_semaphore, #tpu.memory_space<semaphore_mem>>)
    %dma_start3A_166 = arith.constant 0 : i32
    %dma_start3A_167 = arith.constant 3 : i32
    %dma_start3A_168 = arith.constant 0 : i32
    %dma_start3A_169 = arith.constant 0 : i32
    %dma_start3A_170 = tpu.memref_slice %arg13[%dma_start3A_166, %dma_start3A_167, %dma_start3A_168, %dma_start3A_169] : memref<3x4x32x128xf32, #tpu.memory_space<vmem>> -> memref<1x1x32x128xf32, #tpu.memory_space<vmem>>
    %dma_start3A_171 = tpu.memref_squeeze %dma_start3A_170 : memref<1x1x32x128xf32, #tpu.memory_space<vmem>> -> memref<32x128xf32, #tpu.memory_space<vmem>>
    %dma_start3A_172 = arith.constant 0 : i32
    %dma_start3A_173 = tpu.memref_slice %arg5[%dma_start3A_172, %multiple_of3A_151] : memref<32x1000000xf32, #tpu.memory_space<hbm>> -> memref<32x128xf32, #tpu.memory_space<hbm>>
    %dma_start3A_174 = arith.constant 0 : i32
    %dma_start3A_175 = arith.constant 0 : i32
    %dma_start3A_176 = tpu.memref_slice %arg13[%dma_start3A_166, %dma_start3A_167, %dma_start3A_174, %dma_start3A_175] : memref<3x4x32x128xf32, #tpu.memory_space<vmem>> -> memref<1x1x32x128xf32, #tpu.memory_space<vmem>>
    %dma_start3A_177 = tpu.memref_squeeze %dma_start3A_176 : memref<1x1x32x128xf32, #tpu.memory_space<vmem>> -> memref<32x128xf32, #tpu.memory_space<vmem>>
    %dma_start3A_178 = arith.constant 0 : i32
    %dma_start3A_179 = tpu.memref_slice %arg5[%dma_start3A_178, %multiple_of3A_151] : memref<32x1000000xf32, #tpu.memory_space<hbm>> -> memref<32x128xf32, #tpu.memory_space<hbm>>
    tpu.enqueue_dma source(%dma_start3A_179 : memref<32x128xf32, #tpu.memory_space<hbm>>) target(%dma_start3A_177 : memref<32x128xf32, #tpu.memory_space<vmem>>) target_semaphore(%arg20 : memref<!tpu.dma_semaphore, #tpu.memory_space<semaphore_mem>>)
    %add3A_180 = arith.constant 4 : i32
    %add3A_181 = vector.broadcast %add3A_180 : i32 to vector<16xi32>
    %add3A_182 = arith.addi %add3A_181, %shift_right_arithmetic3A_7 : vector<16xi32>
    %gather3A_183 = tpu.vector_load_idx %arg10[%add3A_182] : memref<512xi32, #tpu.memory_space<vmem>>[vector<16xi32>], vector<16xi32>,
    %add3A_184 = arith.constant 4 : i32
    %add3A_185 = vector.broadcast %add3A_184 : i32 to vector<16xi32>
    %add3A_186 = arith.addi %add3A_185, %shift_right_arithmetic3A_7 : vector<16xi32>
    %gather3A_187 = tpu.vector_load_idx %arg11[%add3A_186] : memref<512xi32, #tpu.memory_space<vmem>>[vector<16xi32>], vector<16xi32>,
    %slice3A_188 = vector.extract_strided_slice %gather3A_183 {offsets = [0], sizes = [1], strides = [1]} : vector<16xi32> to vector<1xi32>
    %squeeze3A_189 = vector.extract %slice3A_188[0] : i32 from vector<1xi32>
    %slice3A_190 = vector.extract_strided_slice %gather3A_187 {offsets = [0], sizes = [1], strides = [1]} : vector<16xi32> to vector<1xi32>
    %squeeze3A_191 = vector.extract %slice3A_190[0] : i32 from vector<1xi32>
    %shift_right_arithmetic3A_192 = arith.constant 7 : i32
    %shift_right_arithmetic3A_193 = arith.shrsi %squeeze3A_189, %shift_right_arithmetic3A_192 : i32
    %mul3A_194 = arith.constant 128 : i32
    %mul3A_195 = arith.muli %shift_right_arithmetic3A_193, %mul3A_194 : i32
    %multiple_of3A_196 = tpu.assume_multiple %mul3A_195, 128 : i32
    %shift_right_arithmetic3A_197 = arith.constant 7 : i32
    %shift_right_arithmetic3A_198 = arith.shrsi %squeeze3A_191, %shift_right_arithmetic3A_197 : i32
    %mul3A_199 = arith.constant 128 : i32
    %mul3A_200 = arith.muli %shift_right_arithmetic3A_198, %mul3A_199 : i32
    %multiple_of3A_201 = tpu.assume_multiple %mul3A_200, 128 : i32
    %dma_start3A_202 = arith.constant 1 : i32
    %dma_start3A_203 = arith.constant 0 : i32
    %dma_start3A_204 = arith.constant 0 : i32
    %dma_start3A_205 = arith.constant 0 : i32
    %dma_start3A_206 = tpu.memref_slice %arg12[%dma_start3A_202, %dma_start3A_203, %dma_start3A_204, %dma_start3A_205] : memref<3x4x32x128xf32, #tpu.memory_space<vmem>> -> memref<1x1x32x128xf32, #tpu.memory_space<vmem>>
    %dma_start3A_207 = tpu.memref_squeeze %dma_start3A_206 : memref<1x1x32x128xf32, #tpu.memory_space<vmem>> -> memref<32x128xf32, #tpu.memory_space<vmem>>
    %dma_start3A_208 = arith.constant 0 : i32
    %dma_start3A_209 = tpu.memref_slice %arg4[%dma_start3A_208, %multiple_of3A_196] : memref<32x1000000xf32, #tpu.memory_space<hbm>> -> memref<32x128xf32, #tpu.memory_space<hbm>>
    %dma_start3A_210 = arith.constant 0 : i32
    %dma_start3A_211 = arith.constant 0 : i32
    %dma_start3A_212 = tpu.memref_slice %arg12[%dma_start3A_202, %dma_start3A_203, %dma_start3A_210, %dma_start3A_211] : memref<3x4x32x128xf32, #tpu.memory_space<vmem>> -> memref<1x1x32x128xf32, #tpu.memory_space<vmem>>
    %dma_start3A_213 = tpu.memref_squeeze %dma_start3A_212 : memref<1x1x32x128xf32, #tpu.memory_space<vmem>> -> memref<32x128xf32, #tpu.memory_space<vmem>>
    %dma_start3A_214 = arith.constant 0 : i32
    %dma_start3A_215 = tpu.memref_slice %arg4[%dma_start3A_214, %multiple_of3A_196] : memref<32x1000000xf32, #tpu.memory_space<hbm>> -> memref<32x128xf32, #tpu.memory_space<hbm>>
    tpu.enqueue_dma source(%dma_start3A_215 : memref<32x128xf32, #tpu.memory_space<hbm>>) target(%dma_start3A_213 : memref<32x128xf32, #tpu.memory_space<vmem>>) target_semaphore(%arg19 : memref<!tpu.dma_semaphore, #tpu.memory_space<semaphore_mem>>)
    %dma_start3A_216 = arith.constant 1 : i32
    %dma_start3A_217 = arith.constant 0 : i32
    %dma_start3A_218 = arith.constant 0 : i32
    %dma_start3A_219 = arith.constant 0 : i32
    %dma_start3A_220 = tpu.memref_slice %arg13[%dma_start3A_216, %dma_start3A_217, %dma_start3A_218, %dma_start3A_219] : memref<3x4x32x128xf32, #tpu.memory_space<vmem>> -> memref<1x1x32x128xf32, #tpu.memory_space<vmem>>
    %dma_start3A_221 = tpu.memref_squeeze %dma_start3A_220 : memref<1x1x32x128xf32, #tpu.memory_space<vmem>> -> memref<32x128xf32, #tpu.memory_space<vmem>>
    %dma_start3A_222 = arith.constant 0 : i32
    %dma_start3A_223 = tpu.memref_slice %arg5[%dma_start3A_222, %multiple_of3A_201] : memref<32x1000000xf32, #tpu.memory_space<hbm>> -> memref<32x128xf32, #tpu.memory_space<hbm>>
    %dma_start3A_224 = arith.constant 0 : i32
    %dma_start3A_225 = arith.constant 0 : i32
    %dma_start3A_226 = tpu.memref_slice %arg13[%dma_start3A_216, %dma_start3A_217, %dma_start3A_224, %dma_start3A_225] : memref<3x4x32x128xf32, #tpu.memory_space<vmem>> -> memref<1x1x32x128xf32, #tpu.memory_space<vmem>>
    %dma_start3A_227 = tpu.memref_squeeze %dma_start3A_226 : memref<1x1x32x128xf32, #tpu.memory_space<vmem>> -> memref<32x128xf32, #tpu.memory_space<vmem>>
    %dma_start3A_228 = arith.constant 0 : i32
    %dma_start3A_229 = tpu.memref_slice %arg5[%dma_start3A_228, %multiple_of3A_201] : memref<32x1000000xf32, #tpu.memory_space<hbm>> -> memref<32x128xf32, #tpu.memory_space<hbm>>
    tpu.enqueue_dma source(%dma_start3A_229 : memref<32x128xf32, #tpu.memory_space<hbm>>) target(%dma_start3A_227 : memref<32x128xf32, #tpu.memory_space<vmem>>) target_semaphore(%arg20 : memref<!tpu.dma_semaphore, #tpu.memory_space<semaphore_mem>>)
    %slice3A_230 = vector.extract_strided_slice %gather3A_183 {offsets = [4], sizes = [1], strides = [1]} : vector<16xi32> to vector<1xi32>
    %squeeze3A_231 = vector.extract %slice3A_230[0] : i32 from vector<1xi32>
    %slice3A_232 = vector.extract_strided_slice %gather3A_187 {offsets = [4], sizes = [1], strides = [1]} : vector<16xi32> to vector<1xi32>
    %squeeze3A_233 = vector.extract %slice3A_232[0] : i32 from vector<1xi32>
    %shift_right_arithmetic3A_234 = arith.constant 7 : i32
    %shift_right_arithmetic3A_235 = arith.shrsi %squeeze3A_231, %shift_right_arithmetic3A_234 : i32
    %mul3A_236 = arith.constant 128 : i32
    %mul3A_237 = arith.muli %shift_right_arithmetic3A_235, %mul3A_236 : i32
    %multiple_of3A_238 = tpu.assume_multiple %mul3A_237, 128 : i32
    %shift_right_arithmetic3A_239 = arith.constant 7 : i32
    %shift_right_arithmetic3A_240 = arith.shrsi %squeeze3A_233, %shift_right_arithmetic3A_239 : i32
    %mul3A_241 = arith.constant 128 : i32
    %mul3A_242 = arith.muli %shift_right_arithmetic3A_240, %mul3A_241 : i32
    %multiple_of3A_243 = tpu.assume_multiple %mul3A_242, 128 : i32
    %dma_start3A_244 = arith.constant 1 : i32
    %dma_start3A_245 = arith.constant 1 : i32
    %dma_start3A_246 = arith.constant 0 : i32
    %dma_start3A_247 = arith.constant 0 : i32
    %dma_start3A_248 = tpu.memref_slice %arg12[%dma_start3A_244, %dma_start3A_245, %dma_start3A_246, %dma_start3A_247] : memref<3x4x32x128xf32, #tpu.memory_space<vmem>> -> memref<1x1x32x128xf32, #tpu.memory_space<vmem>>
    %dma_start3A_249 = tpu.memref_squeeze %dma_start3A_248 : memref<1x1x32x128xf32, #tpu.memory_space<vmem>> -> memref<32x128xf32, #tpu.memory_space<vmem>>
    %dma_start3A_250 = arith.constant 0 : i32
    %dma_start3A_251 = tpu.memref_slice %arg4[%dma_start3A_250, %multiple_of3A_238] : memref<32x1000000xf32, #tpu.memory_space<hbm>> -> memref<32x128xf32, #tpu.memory_space<hbm>>
    %dma_start3A_252 = arith.constant 0 : i32
    %dma_start3A_253 = arith.constant 0 : i32
    %dma_start3A_254 = tpu.memref_slice %arg12[%dma_start3A_244, %dma_start3A_245, %dma_start3A_252, %dma_start3A_253] : memref<3x4x32x128xf32, #tpu.memory_space<vmem>> -> memref<1x1x32x128xf32, #tpu.memory_space<vmem>>
    %dma_start3A_255 = tpu.memref_squeeze %dma_start3A_254 : memref<1x1x32x128xf32, #tpu.memory_space<vmem>> -> memref<32x128xf32, #tpu.memory_space<vmem>>
    %dma_start3A_256 = arith.constant 0 : i32
    %dma_start3A_257 = tpu.memref_slice %arg4[%dma_start3A_256, %multiple_of3A_238] : memref<32x1000000xf32, #tpu.memory_space<hbm>> -> memref<32x128xf32, #tpu.memory_space<hbm>>
    tpu.enqueue_dma source(%dma_start3A_257 : memref<32x128xf32, #tpu.memory_space<hbm>>) target(%dma_start3A_255 : memref<32x128xf32, #tpu.memory_space<vmem>>) target_semaphore(%arg19 : memref<!tpu.dma_semaphore, #tpu.memory_space<semaphore_mem>>)
    %dma_start3A_258 = arith.constant 1 : i32
    %dma_start3A_259 = arith.constant 1 : i32
    %dma_start3A_260 = arith.constant 0 : i32
    %dma_start3A_261 = arith.constant 0 : i32
    %dma_start3A_262 = tpu.memref_slice %arg13[%dma_start3A_258, %dma_start3A_259, %dma_start3A_260, %dma_start3A_261] : memref<3x4x32x128xf32, #tpu.memory_space<vmem>> -> memref<1x1x32x128xf32, #tpu.memory_space<vmem>>
    %dma_start3A_263 = tpu.memref_squeeze %dma_start3A_262 : memref<1x1x32x128xf32, #tpu.memory_space<vmem>> -> memref<32x128xf32, #tpu.memory_space<vmem>>
    %dma_start3A_264 = arith.constant 0 : i32
    %dma_start3A_265 = tpu.memref_slice %arg5[%dma_start3A_264, %multiple_of3A_243] : memref<32x1000000xf32, #tpu.memory_space<hbm>> -> memref<32x128xf32, #tpu.memory_space<hbm>>
    %dma_start3A_266 = arith.constant 0 : i32
    %dma_start3A_267 = arith.constant 0 : i32
    %dma_start3A_268 = tpu.memref_slice %arg13[%dma_start3A_258, %dma_start3A_259, %dma_start3A_266, %dma_start3A_267] : memref<3x4x32x128xf32, #tpu.memory_space<vmem>> -> memref<1x1x32x128xf32, #tpu.memory_space<vmem>>
    %dma_start3A_269 = tpu.memref_squeeze %dma_start3A_268 : memref<1x1x32x128xf32, #tpu.memory_space<vmem>> -> memref<32x128xf32, #tpu.memory_space<vmem>>
    %dma_start3A_270 = arith.constant 0 : i32
    %dma_start3A_271 = tpu.memref_slice %arg5[%dma_start3A_270, %multiple_of3A_243] : memref<32x1000000xf32, #tpu.memory_space<hbm>> -> memref<32x128xf32, #tpu.memory_space<hbm>>
    tpu.enqueue_dma source(%dma_start3A_271 : memref<32x128xf32, #tpu.memory_space<hbm>>) target(%dma_start3A_269 : memref<32x128xf32, #tpu.memory_space<vmem>>) target_semaphore(%arg20 : memref<!tpu.dma_semaphore, #tpu.memory_space<semaphore_mem>>)
    %slice3A_272 = vector.extract_strided_slice %gather3A_183 {offsets = [8], sizes = [1], strides = [1]} : vector<16xi32> to vector<1xi32>
    %squeeze3A_273 = vector.extract %slice3A_272[0] : i32 from vector<1xi32>
    %slice3A_274 = vector.extract_strided_slice %gather3A_187 {offsets = [8], sizes = [1], strides = [1]} : vector<16xi32> to vector<1xi32>
    %squeeze3A_275 = vector.extract %slice3A_274[0] : i32 from vector<1xi32>
    %shift_right_arithmetic3A_276 = arith.constant 7 : i32
    %shift_right_arithmetic3A_277 = arith.shrsi %squeeze3A_273, %shift_right_arithmetic3A_276 : i32
    %mul3A_278 = arith.constant 128 : i32
    %mul3A_279 = arith.muli %shift_right_arithmetic3A_277, %mul3A_278 : i32
    %multiple_of3A_280 = tpu.assume_multiple %mul3A_279, 128 : i32
    %shift_right_arithmetic3A_281 = arith.constant 7 : i32
    %shift_right_arithmetic3A_282 = arith.shrsi %squeeze3A_275, %shift_right_arithmetic3A_281 : i32
    %mul3A_283 = arith.constant 128 : i32
    %mul3A_284 = arith.muli %shift_right_arithmetic3A_282, %mul3A_283 : i32
    %multiple_of3A_285 = tpu.assume_multiple %mul3A_284, 128 : i32
    %dma_start3A_286 = arith.constant 1 : i32
    %dma_start3A_287 = arith.constant 2 : i32
    %dma_start3A_288 = arith.constant 0 : i32
    %dma_start3A_289 = arith.constant 0 : i32
    %dma_start3A_290 = tpu.memref_slice %arg12[%dma_start3A_286, %dma_start3A_287, %dma_start3A_288, %dma_start3A_289] : memref<3x4x32x128xf32, #tpu.memory_space<vmem>> -> memref<1x1x32x128xf32, #tpu.memory_space<vmem>>
    %dma_start3A_291 = tpu.memref_squeeze %dma_start3A_290 : memref<1x1x32x128xf32, #tpu.memory_space<vmem>> -> memref<32x128xf32, #tpu.memory_space<vmem>>
    %dma_start3A_292 = arith.constant 0 : i32
    %dma_start3A_293 = tpu.memref_slice %arg4[%dma_start3A_292, %multiple_of3A_280] : memref<32x1000000xf32, #tpu.memory_space<hbm>> -> memref<32x128xf32, #tpu.memory_space<hbm>>
    %dma_start3A_294 = arith.constant 0 : i32
    %dma_start3A_295 = arith.constant 0 : i32
    %dma_start3A_296 = tpu.memref_slice %arg12[%dma_start3A_286, %dma_start3A_287, %dma_start3A_294, %dma_start3A_295] : memref<3x4x32x128xf32, #tpu.memory_space<vmem>> -> memref<1x1x32x128xf32, #tpu.memory_space<vmem>>
    %dma_start3A_297 = tpu.memref_squeeze %dma_start3A_296 : memref<1x1x32x128xf32, #tpu.memory_space<vmem>> -> memref<32x128xf32, #tpu.memory_space<vmem>>
    %dma_start3A_298 = arith.constant 0 : i32
    %dma_start3A_299 = tpu.memref_slice %arg4[%dma_start3A_298, %multiple_of3A_280] : memref<32x1000000xf32, #tpu.memory_space<hbm>> -> memref<32x128xf32, #tpu.memory_space<hbm>>
    tpu.enqueue_dma source(%dma_start3A_299 : memref<32x128xf32, #tpu.memory_space<hbm>>) target(%dma_start3A_297 : memref<32x128xf32, #tpu.memory_space<vmem>>) target_semaphore(%arg19 : memref<!tpu.dma_semaphore, #tpu.memory_space<semaphore_mem>>)
    %dma_start3A_300 = arith.constant 1 : i32
    %dma_start3A_301 = arith.constant 2 : i32
    %dma_start3A_302 = arith.constant 0 : i32
    %dma_start3A_303 = arith.constant 0 : i32
    %dma_start3A_304 = tpu.memref_slice %arg13[%dma_start3A_300, %dma_start3A_301, %dma_start3A_302, %dma_start3A_303] : memref<3x4x32x128xf32, #tpu.memory_space<vmem>> -> memref<1x1x32x128xf32, #tpu.memory_space<vmem>>
    %dma_start3A_305 = tpu.memref_squeeze %dma_start3A_304 : memref<1x1x32x128xf32, #tpu.memory_space<vmem>> -> memref<32x128xf32, #tpu.memory_space<vmem>>
    %dma_start3A_306 = arith.constant 0 : i32
    %dma_start3A_307 = tpu.memref_slice %arg5[%dma_start3A_306, %multiple_of3A_285] : memref<32x1000000xf32, #tpu.memory_space<hbm>> -> memref<32x128xf32, #tpu.memory_space<hbm>>
    %dma_start3A_308 = arith.constant 0 : i32
    %dma_start3A_309 = arith.constant 0 : i32
    %dma_start3A_310 = tpu.memref_slice %arg13[%dma_start3A_300, %dma_start3A_301, %dma_start3A_308, %dma_start3A_309] : memref<3x4x32x128xf32, #tpu.memory_space<vmem>> -> memref<1x1x32x128xf32, #tpu.memory_space<vmem>>
    %dma_start3A_311 = tpu.memref_squeeze %dma_start3A_310 : memref<1x1x32x128xf32, #tpu.memory_space<vmem>> -> memref<32x128xf32, #tpu.memory_space<vmem>>
    %dma_start3A_312 = arith.constant 0 : i32
    %dma_start3A_313 = tpu.memref_slice %arg5[%dma_start3A_312, %multiple_of3A_285] : memref<32x1000000xf32, #tpu.memory_space<hbm>> -> memref<32x128xf32, #tpu.memory_space<hbm>>
    tpu.enqueue_dma source(%dma_start3A_313 : memref<32x128xf32, #tpu.memory_space<hbm>>) target(%dma_start3A_311 : memref<32x128xf32, #tpu.memory_space<vmem>>) target_semaphore(%arg20 : memref<!tpu.dma_semaphore, #tpu.memory_space<semaphore_mem>>)
    %slice3A_314 = vector.extract_strided_slice %gather3A_183 {offsets = [12], sizes = [1], strides = [1]} : vector<16xi32> to vector<1xi32>
    %squeeze3A_315 = vector.extract %slice3A_314[0] : i32 from vector<1xi32>
    %slice3A_316 = vector.extract_strided_slice %gather3A_187 {offsets = [12], sizes = [1], strides = [1]} : vector<16xi32> to vector<1xi32>
    %squeeze3A_317 = vector.extract %slice3A_316[0] : i32 from vector<1xi32>
    %shift_right_arithmetic3A_318 = arith.constant 7 : i32
    %shift_right_arithmetic3A_319 = arith.shrsi %squeeze3A_315, %shift_right_arithmetic3A_318 : i32
    %mul3A_320 = arith.constant 128 : i32
    %mul3A_321 = arith.muli %shift_right_arithmetic3A_319, %mul3A_320 : i32
    %multiple_of3A_322 = tpu.assume_multiple %mul3A_321, 128 : i32
    %shift_right_arithmetic3A_323 = arith.constant 7 : i32
    %shift_right_arithmetic3A_324 = arith.shrsi %squeeze3A_317, %shift_right_arithmetic3A_323 : i32
    %mul3A_325 = arith.constant 128 : i32
    %mul3A_326 = arith.muli %shift_right_arithmetic3A_324, %mul3A_325 : i32
    %multiple_of3A_327 = tpu.assume_multiple %mul3A_326, 128 : i32
    %dma_start3A_328 = arith.constant 1 : i32
    %dma_start3A_329 = arith.constant 3 : i32
    %dma_start3A_330 = arith.constant 0 : i32
    %dma_start3A_331 = arith.constant 0 : i32
    %dma_start3A_332 = tpu.memref_slice %arg12[%dma_start3A_328, %dma_start3A_329, %dma_start3A_330, %dma_start3A_331] : memref<3x4x32x128xf32, #tpu.memory_space<vmem>> -> memref<1x1x32x128xf32, #tpu.memory_space<vmem>>
    %dma_start3A_333 = tpu.memref_squeeze %dma_start3A_332 : memref<1x1x32x128xf32, #tpu.memory_space<vmem>> -> memref<32x128xf32, #tpu.memory_space<vmem>>
    %dma_start3A_334 = arith.constant 0 : i32
    %dma_start3A_335 = tpu.memref_slice %arg4[%dma_start3A_334, %multiple_of3A_322] : memref<32x1000000xf32, #tpu.memory_space<hbm>> -> memref<32x128xf32, #tpu.memory_space<hbm>>
    %dma_start3A_336 = arith.constant 0 : i32
    %dma_start3A_337 = arith.constant 0 : i32
    %dma_start3A_338 = tpu.memref_slice %arg12[%dma_start3A_328, %dma_start3A_329, %dma_start3A_336, %dma_start3A_337] : memref<3x4x32x128xf32, #tpu.memory_space<vmem>> -> memref<1x1x32x128xf32, #tpu.memory_space<vmem>>
    %dma_start3A_339 = tpu.memref_squeeze %dma_start3A_338 : memref<1x1x32x128xf32, #tpu.memory_space<vmem>> -> memref<32x128xf32, #tpu.memory_space<vmem>>
    %dma_start3A_340 = arith.constant 0 : i32
    %dma_start3A_341 = tpu.memref_slice %arg4[%dma_start3A_340, %multiple_of3A_322] : memref<32x1000000xf32, #tpu.memory_space<hbm>> -> memref<32x128xf32, #tpu.memory_space<hbm>>
    tpu.enqueue_dma source(%dma_start3A_341 : memref<32x128xf32, #tpu.memory_space<hbm>>) target(%dma_start3A_339 : memref<32x128xf32, #tpu.memory_space<vmem>>) target_semaphore(%arg19 : memref<!tpu.dma_semaphore, #tpu.memory_space<semaphore_mem>>)
    %dma_start3A_342 = arith.constant 1 : i32
    %dma_start3A_343 = arith.constant 3 : i32
    %dma_start3A_344 = arith.constant 0 : i32
    %dma_start3A_345 = arith.constant 0 : i32
    %dma_start3A_346 = tpu.memref_slice %arg13[%dma_start3A_342, %dma_start3A_343, %dma_start3A_344, %dma_start3A_345] : memref<3x4x32x128xf32, #tpu.memory_space<vmem>> -> memref<1x1x32x128xf32, #tpu.memory_space<vmem>>
    %dma_start3A_347 = tpu.memref_squeeze %dma_start3A_346 : memref<1x1x32x128xf32, #tpu.memory_space<vmem>> -> memref<32x128xf32, #tpu.memory_space<vmem>>
    %dma_start3A_348 = arith.constant 0 : i32
    %dma_start3A_349 = tpu.memref_slice %arg5[%dma_start3A_348, %multiple_of3A_327] : memref<32x1000000xf32, #tpu.memory_space<hbm>> -> memref<32x128xf32, #tpu.memory_space<hbm>>
    %dma_start3A_350 = arith.constant 0 : i32
    %dma_start3A_351 = arith.constant 0 : i32
    %dma_start3A_352 = tpu.memref_slice %arg13[%dma_start3A_342, %dma_start3A_343, %dma_start3A_350, %dma_start3A_351] : memref<3x4x32x128xf32, #tpu.memory_space<vmem>> -> memref<1x1x32x128xf32, #tpu.memory_space<vmem>>
    %dma_start3A_353 = tpu.memref_squeeze %dma_start3A_352 : memref<1x1x32x128xf32, #tpu.memory_space<vmem>> -> memref<32x128xf32, #tpu.memory_space<vmem>>
    %dma_start3A_354 = arith.constant 0 : i32
    %dma_start3A_355 = tpu.memref_slice %arg5[%dma_start3A_354, %multiple_of3A_327] : memref<32x1000000xf32, #tpu.memory_space<hbm>> -> memref<32x128xf32, #tpu.memory_space<hbm>>
    tpu.enqueue_dma source(%dma_start3A_355 : memref<32x128xf32, #tpu.memory_space<hbm>>) target(%dma_start3A_353 : memref<32x128xf32, #tpu.memory_space<vmem>>) target_semaphore(%arg20 : memref<!tpu.dma_semaphore, #tpu.memory_space<semaphore_mem>>)
    %add3A_356 = arith.constant 8 : i32
    %add3A_357 = vector.broadcast %add3A_356 : i32 to vector<16xi32>
    %add3A_358 = arith.addi %add3A_357, %shift_right_arithmetic3A_7 : vector<16xi32>
    %gather3A_359 = tpu.vector_load_idx %arg10[%add3A_358] : memref<512xi32, #tpu.memory_space<vmem>>[vector<16xi32>], vector<16xi32>,
    %add3A_360 = arith.constant 8 : i32
    %add3A_361 = vector.broadcast %add3A_360 : i32 to vector<16xi32>
    %add3A_362 = arith.addi %add3A_361, %shift_right_arithmetic3A_7 : vector<16xi32>
    %gather3A_363 = tpu.vector_load_idx %arg11[%add3A_362] : memref<512xi32, #tpu.memory_space<vmem>>[vector<16xi32>], vector<16xi32>,
    %slice3A_364 = vector.extract_strided_slice %gather3A_359 {offsets = [0], sizes = [1], strides = [1]} : vector<16xi32> to vector<1xi32>
    %squeeze3A_365 = vector.extract %slice3A_364[0] : i32 from vector<1xi32>
    %slice3A_366 = vector.extract_strided_slice %gather3A_363 {offsets = [0], sizes = [1], strides = [1]} : vector<16xi32> to vector<1xi32>
    %squeeze3A_367 = vector.extract %slice3A_366[0] : i32 from vector<1xi32>
    %shift_right_arithmetic3A_368 = arith.constant 7 : i32
    %shift_right_arithmetic3A_369 = arith.shrsi %squeeze3A_365, %shift_right_arithmetic3A_368 : i32
    %mul3A_370 = arith.constant 128 : i32
    %mul3A_371 = arith.muli %shift_right_arithmetic3A_369, %mul3A_370 : i32
    %multiple_of3A_372 = tpu.assume_multiple %mul3A_371, 128 : i32
    %shift_right_arithmetic3A_373 = arith.constant 7 : i32
    %shift_right_arithmetic3A_374 = arith.shrsi %squeeze3A_367, %shift_right_arithmetic3A_373 : i32
    %mul3A_375 = arith.constant 128 : i32
    %mul3A_376 = arith.muli %shift_right_arithmetic3A_374, %mul3A_375 : i32
    %multiple_of3A_377 = tpu.assume_multiple %mul3A_376, 128 : i32
    %dma_start3A_378 = arith.constant 2 : i32
    %dma_start3A_379 = arith.constant 0 : i32
    %dma_start3A_380 = arith.constant 0 : i32
    %dma_start3A_381 = arith.constant 0 : i32
    %dma_start3A_382 = tpu.memref_slice %arg12[%dma_start3A_378, %dma_start3A_379, %dma_start3A_380, %dma_start3A_381] : memref<3x4x32x128xf32, #tpu.memory_space<vmem>> -> memref<1x1x32x128xf32, #tpu.memory_space<vmem>>
    %dma_start3A_383 = tpu.memref_squeeze %dma_start3A_382 : memref<1x1x32x128xf32, #tpu.memory_space<vmem>> -> memref<32x128xf32, #tpu.memory_space<vmem>>
    %dma_start3A_384 = arith.constant 0 : i32
    %dma_start3A_385 = tpu.memref_slice %arg4[%dma_start3A_384, %multiple_of3A_372] : memref<32x1000000xf32, #tpu.memory_space<hbm>> -> memref<32x128xf32, #tpu.memory_space<hbm>>
    %dma_start3A_386 = arith.constant 0 : i32
    %dma_start3A_387 = arith.constant 0 : i32
    %dma_start3A_388 = tpu.memref_slice %arg12[%dma_start3A_378, %dma_start3A_379, %dma_start3A_386, %dma_start3A_387] : memref<3x4x32x128xf32, #tpu.memory_space<vmem>> -> memref<1x1x32x128xf32, #tpu.memory_space<vmem>>
    %dma_start3A_389 = tpu.memref_squeeze %dma_start3A_388 : memref<1x1x32x128xf32, #tpu.memory_space<vmem>> -> memref<32x128xf32, #tpu.memory_space<vmem>>
    %dma_start3A_390 = arith.constant 0 : i32
    %dma_start3A_391 = tpu.memref_slice %arg4[%dma_start3A_390, %multiple_of3A_372] : memref<32x1000000xf32, #tpu.memory_space<hbm>> -> memref<32x128xf32, #tpu.memory_space<hbm>>
    tpu.enqueue_dma source(%dma_start3A_391 : memref<32x128xf32, #tpu.memory_space<hbm>>) target(%dma_start3A_389 : memref<32x128xf32, #tpu.memory_space<vmem>>) target_semaphore(%arg19 : memref<!tpu.dma_semaphore, #tpu.memory_space<semaphore_mem>>)
    %dma_start3A_392 = arith.constant 2 : i32
    %dma_start3A_393 = arith.constant 0 : i32
    %dma_start3A_394 = arith.constant 0 : i32
    %dma_start3A_395 = arith.constant 0 : i32
    %dma_start3A_396 = tpu.memref_slice %arg13[%dma_start3A_392, %dma_start3A_393, %dma_start3A_394, %dma_start3A_395] : memref<3x4x32x128xf32, #tpu.memory_space<vmem>> -> memref<1x1x32x128xf32, #tpu.memory_space<vmem>>
    %dma_start3A_397 = tpu.memref_squeeze %dma_start3A_396 : memref<1x1x32x128xf32, #tpu.memory_space<vmem>> -> memref<32x128xf32, #tpu.memory_space<vmem>>
    %dma_start3A_398 = arith.constant 0 : i32
    %dma_start3A_399 = tpu.memref_slice %arg5[%dma_start3A_398, %multiple_of3A_377] : memref<32x1000000xf32, #tpu.memory_space<hbm>> -> memref<32x128xf32, #tpu.memory_space<hbm>>
    %dma_start3A_400 = arith.constant 0 : i32
    %dma_start3A_401 = arith.constant 0 : i32
    %dma_start3A_402 = tpu.memref_slice %arg13[%dma_start3A_392, %dma_start3A_393, %dma_start3A_400, %dma_start3A_401] : memref<3x4x32x128xf32, #tpu.memory_space<vmem>> -> memref<1x1x32x128xf32, #tpu.memory_space<vmem>>
    %dma_start3A_403 = tpu.memref_squeeze %dma_start3A_402 : memref<1x1x32x128xf32, #tpu.memory_space<vmem>> -> memref<32x128xf32, #tpu.memory_space<vmem>>
    %dma_start3A_404 = arith.constant 0 : i32
    %dma_start3A_405 = tpu.memref_slice %arg5[%dma_start3A_404, %multiple_of3A_377] : memref<32x1000000xf32, #tpu.memory_space<hbm>> -> memref<32x128xf32, #tpu.memory_space<hbm>>
    tpu.enqueue_dma source(%dma_start3A_405 : memref<32x128xf32, #tpu.memory_space<hbm>>) target(%dma_start3A_403 : memref<32x128xf32, #tpu.memory_space<vmem>>) target_semaphore(%arg20 : memref<!tpu.dma_semaphore, #tpu.memory_space<semaphore_mem>>)
    %slice3A_406 = vector.extract_strided_slice %gather3A_359 {offsets = [4], sizes = [1], strides = [1]} : vector<16xi32> to vector<1xi32>
    %squeeze3A_407 = vector.extract %slice3A_406[0] : i32 from vector<1xi32>
    %slice3A_408 = vector.extract_strided_slice %gather3A_363 {offsets = [4], sizes = [1], strides = [1]} : vector<16xi32> to vector<1xi32>
    %squeeze3A_409 = vector.extract %slice3A_408[0] : i32 from vector<1xi32>
    %shift_right_arithmetic3A_410 = arith.constant 7 : i32
    %shift_right_arithmetic3A_411 = arith.shrsi %squeeze3A_407, %shift_right_arithmetic3A_410 : i32
    %mul3A_412 = arith.constant 128 : i32
    %mul3A_413 = arith.muli %shift_right_arithmetic3A_411, %mul3A_412 : i32
    %multiple_of3A_414 = tpu.assume_multiple %mul3A_413, 128 : i32
    %shift_right_arithmetic3A_415 = arith.constant 7 : i32
    %shift_right_arithmetic3A_416 = arith.shrsi %squeeze3A_409, %shift_right_arithmetic3A_415 : i32
    %mul3A_417 = arith.constant 128 : i32
    %mul3A_418 = arith.muli %shift_right_arithmetic3A_416, %mul3A_417 : i32
    %multiple_of3A_419 = tpu.assume_multiple %mul3A_418, 128 : i32
    %dma_start3A_420 = arith.constant 2 : i32
    %dma_start3A_421 = arith.constant 1 : i32
    %dma_start3A_422 = arith.constant 0 : i32
    %dma_start3A_423 = arith.constant 0 : i32
    %dma_start3A_424 = tpu.memref_slice %arg12[%dma_start3A_420, %dma_start3A_421, %dma_start3A_422, %dma_start3A_423] : memref<3x4x32x128xf32, #tpu.memory_space<vmem>> -> memref<1x1x32x128xf32, #tpu.memory_space<vmem>>
    %dma_start3A_425 = tpu.memref_squeeze %dma_start3A_424 : memref<1x1x32x128xf32, #tpu.memory_space<vmem>> -> memref<32x128xf32, #tpu.memory_space<vmem>>
    %dma_start3A_426 = arith.constant 0 : i32
    %dma_start3A_427 = tpu.memref_slice %arg4[%dma_start3A_426, %multiple_of3A_414] : memref<32x1000000xf32, #tpu.memory_space<hbm>> -> memref<32x128xf32, #tpu.memory_space<hbm>>
    %dma_start3A_428 = arith.constant 0 : i32
    %dma_start3A_429 = arith.constant 0 : i32
    %dma_start3A_430 = tpu.memref_slice %arg12[%dma_start3A_420, %dma_start3A_421, %dma_start3A_428, %dma_start3A_429] : memref<3x4x32x128xf32, #tpu.memory_space<vmem>> -> memref<1x1x32x128xf32, #tpu.memory_space<vmem>>
    %dma_start3A_431 = tpu.memref_squeeze %dma_start3A_430 : memref<1x1x32x128xf32, #tpu.memory_space<vmem>> -> memref<32x128xf32, #tpu.memory_space<vmem>>
    %dma_start3A_432 = arith.constant 0 : i32
    %dma_start3A_433 = tpu.memref_slice %arg4[%dma_start3A_432, %multiple_of3A_414] : memref<32x1000000xf32, #tpu.memory_space<hbm>> -> memref<32x128xf32, #tpu.memory_space<hbm>>
    tpu.enqueue_dma source(%dma_start3A_433 : memref<32x128xf32, #tpu.memory_space<hbm>>) target(%dma_start3A_431 : memref<32x128xf32, #tpu.memory_space<vmem>>) target_semaphore(%arg19 : memref<!tpu.dma_semaphore, #tpu.memory_space<semaphore_mem>>)
    %dma_start3A_434 = arith.constant 2 : i32
    %dma_start3A_435 = arith.constant 1 : i32
    %dma_start3A_436 = arith.constant 0 : i32
    %dma_start3A_437 = arith.constant 0 : i32
    %dma_start3A_438 = tpu.memref_slice %arg13[%dma_start3A_434, %dma_start3A_435, %dma_start3A_436, %dma_start3A_437] : memref<3x4x32x128xf32, #tpu.memory_space<vmem>> -> memref<1x1x32x128xf32, #tpu.memory_space<vmem>>
    %dma_start3A_439 = tpu.memref_squeeze %dma_start3A_438 : memref<1x1x32x128xf32, #tpu.memory_space<vmem>> -> memref<32x128xf32, #tpu.memory_space<vmem>>
    %dma_start3A_440 = arith.constant 0 : i32
    %dma_start3A_441 = tpu.memref_slice %arg5[%dma_start3A_440, %multiple_of3A_419] : memref<32x1000000xf32, #tpu.memory_space<hbm>> -> memref<32x128xf32, #tpu.memory_space<hbm>>
    %dma_start3A_442 = arith.constant 0 : i32
    %dma_start3A_443 = arith.constant 0 : i32
    %dma_start3A_444 = tpu.memref_slice %arg13[%dma_start3A_434, %dma_start3A_435, %dma_start3A_442, %dma_start3A_443] : memref<3x4x32x128xf32, #tpu.memory_space<vmem>> -> memref<1x1x32x128xf32, #tpu.memory_space<vmem>>
    %dma_start3A_445 = tpu.memref_squeeze %dma_start3A_444 : memref<1x1x32x128xf32, #tpu.memory_space<vmem>> -> memref<32x128xf32, #tpu.memory_space<vmem>>
    %dma_start3A_446 = arith.constant 0 : i32
    %dma_start3A_447 = tpu.memref_slice %arg5[%dma_start3A_446, %multiple_of3A_419] : memref<32x1000000xf32, #tpu.memory_space<hbm>> -> memref<32x128xf32, #tpu.memory_space<hbm>>
    tpu.enqueue_dma source(%dma_start3A_447 : memref<32x128xf32, #tpu.memory_space<hbm>>) target(%dma_start3A_445 : memref<32x128xf32, #tpu.memory_space<vmem>>) target_semaphore(%arg20 : memref<!tpu.dma_semaphore, #tpu.memory_space<semaphore_mem>>)
    %slice3A_448 = vector.extract_strided_slice %gather3A_359 {offsets = [8], sizes = [1], strides = [1]} : vector<16xi32> to vector<1xi32>
    %squeeze3A_449 = vector.extract %slice3A_448[0] : i32 from vector<1xi32>
    %slice3A_450 = vector.extract_strided_slice %gather3A_363 {offsets = [8], sizes = [1], strides = [1]} : vector<16xi32> to vector<1xi32>
    %squeeze3A_451 = vector.extract %slice3A_450[0] : i32 from vector<1xi32>
    %shift_right_arithmetic3A_452 = arith.constant 7 : i32
    %shift_right_arithmetic3A_453 = arith.shrsi %squeeze3A_449, %shift_right_arithmetic3A_452 : i32
    %mul3A_454 = arith.constant 128 : i32
    %mul3A_455 = arith.muli %shift_right_arithmetic3A_453, %mul3A_454 : i32
    %multiple_of3A_456 = tpu.assume_multiple %mul3A_455, 128 : i32
    %shift_right_arithmetic3A_457 = arith.constant 7 : i32
    %shift_right_arithmetic3A_458 = arith.shrsi %squeeze3A_451, %shift_right_arithmetic3A_457 : i32
    %mul3A_459 = arith.constant 128 : i32
    %mul3A_460 = arith.muli %shift_right_arithmetic3A_458, %mul3A_459 : i32
    %multiple_of3A_461 = tpu.assume_multiple %mul3A_460, 128 : i32
    %dma_start3A_462 = arith.constant 2 : i32
    %dma_start3A_463 = arith.constant 2 : i32
    %dma_start3A_464 = arith.constant 0 : i32
    %dma_start3A_465 = arith.constant 0 : i32
    %dma_start3A_466 = tpu.memref_slice %arg12[%dma_start3A_462, %dma_start3A_463, %dma_start3A_464, %dma_start3A_465] : memref<3x4x32x128xf32, #tpu.memory_space<vmem>> -> memref<1x1x32x128xf32, #tpu.memory_space<vmem>>
    %dma_start3A_467 = tpu.memref_squeeze %dma_start3A_466 : memref<1x1x32x128xf32, #tpu.memory_space<vmem>> -> memref<32x128xf32, #tpu.memory_space<vmem>>
    %dma_start3A_468 = arith.constant 0 : i32
    %dma_start3A_469 = tpu.memref_slice %arg4[%dma_start3A_468, %multiple_of3A_456] : memref<32x1000000xf32, #tpu.memory_space<hbm>> -> memref<32x128xf32, #tpu.memory_space<hbm>>
    %dma_start3A_470 = arith.constant 0 : i32
    %dma_start3A_471 = arith.constant 0 : i32
    %dma_start3A_472 = tpu.memref_slice %arg12[%dma_start3A_462, %dma_start3A_463, %dma_start3A_470, %dma_start3A_471] : memref<3x4x32x128xf32, #tpu.memory_space<vmem>> -> memref<1x1x32x128xf32, #tpu.memory_space<vmem>>
    %dma_start3A_473 = tpu.memref_squeeze %dma_start3A_472 : memref<1x1x32x128xf32, #tpu.memory_space<vmem>> -> memref<32x128xf32, #tpu.memory_space<vmem>>
    %dma_start3A_474 = arith.constant 0 : i32
    %dma_start3A_475 = tpu.memref_slice %arg4[%dma_start3A_474, %multiple_of3A_456] : memref<32x1000000xf32, #tpu.memory_space<hbm>> -> memref<32x128xf32, #tpu.memory_space<hbm>>
    tpu.enqueue_dma source(%dma_start3A_475 : memref<32x128xf32, #tpu.memory_space<hbm>>) target(%dma_start3A_473 : memref<32x128xf32, #tpu.memory_space<vmem>>) target_semaphore(%arg19 : memref<!tpu.dma_semaphore, #tpu.memory_space<semaphore_mem>>)
    %dma_start3A_476 = arith.constant 2 : i32
    %dma_start3A_477 = arith.constant 2 : i32
    %dma_start3A_478 = arith.constant 0 : i32
    %dma_start3A_479 = arith.constant 0 : i32
    %dma_start3A_480 = tpu.memref_slice %arg13[%dma_start3A_476, %dma_start3A_477, %dma_start3A_478, %dma_start3A_479] : memref<3x4x32x128xf32, #tpu.memory_space<vmem>> -> memref<1x1x32x128xf32, #tpu.memory_space<vmem>>
    %dma_start3A_481 = tpu.memref_squeeze %dma_start3A_480 : memref<1x1x32x128xf32, #tpu.memory_space<vmem>> -> memref<32x128xf32, #tpu.memory_space<vmem>>
    %dma_start3A_482 = arith.constant 0 : i32
    %dma_start3A_483 = tpu.memref_slice %arg5[%dma_start3A_482, %multiple_of3A_461] : memref<32x1000000xf32, #tpu.memory_space<hbm>> -> memref<32x128xf32, #tpu.memory_space<hbm>>
    %dma_start3A_484 = arith.constant 0 : i32
    %dma_start3A_485 = arith.constant 0 : i32
    %dma_start3A_486 = tpu.memref_slice %arg13[%dma_start3A_476, %dma_start3A_477, %dma_start3A_484, %dma_start3A_485] : memref<3x4x32x128xf32, #tpu.memory_space<vmem>> -> memref<1x1x32x128xf32, #tpu.memory_space<vmem>>
    %dma_start3A_487 = tpu.memref_squeeze %dma_start3A_486 : memref<1x1x32x128xf32, #tpu.memory_space<vmem>> -> memref<32x128xf32, #tpu.memory_space<vmem>>
    %dma_start3A_488 = arith.constant 0 : i32
    %dma_start3A_489 = tpu.memref_slice %arg5[%dma_start3A_488, %multiple_of3A_461] : memref<32x1000000xf32, #tpu.memory_space<hbm>> -> memref<32x128xf32, #tpu.memory_space<hbm>>
    tpu.enqueue_dma source(%dma_start3A_489 : memref<32x128xf32, #tpu.memory_space<hbm>>) target(%dma_start3A_487 : memref<32x128xf32, #tpu.memory_space<vmem>>) target_semaphore(%arg20 : memref<!tpu.dma_semaphore, #tpu.memory_space<semaphore_mem>>)
    %slice3A_490 = vector.extract_strided_slice %gather3A_359 {offsets = [12], sizes = [1], strides = [1]} : vector<16xi32> to vector<1xi32>
    %squeeze3A_491 = vector.extract %slice3A_490[0] : i32 from vector<1xi32>
    %slice3A_492 = vector.extract_strided_slice %gather3A_363 {offsets = [12], sizes = [1], strides = [1]} : vector<16xi32> to vector<1xi32>
    %squeeze3A_493 = vector.extract %slice3A_492[0] : i32 from vector<1xi32>
    %shift_right_arithmetic3A_494 = arith.constant 7 : i32
    %shift_right_arithmetic3A_495 = arith.shrsi %squeeze3A_491, %shift_right_arithmetic3A_494 : i32
    %mul3A_496 = arith.constant 128 : i32
    %mul3A_497 = arith.muli %shift_right_arithmetic3A_495, %mul3A_496 : i32
    %multiple_of3A_498 = tpu.assume_multiple %mul3A_497, 128 : i32
    %shift_right_arithmetic3A_499 = arith.constant 7 : i32
    %shift_right_arithmetic3A_500 = arith.shrsi %squeeze3A_493, %shift_right_arithmetic3A_499 : i32
    %mul3A_501 = arith.constant 128 : i32
    %mul3A_502 = arith.muli %shift_right_arithmetic3A_500, %mul3A_501 : i32
    %multiple_of3A_503 = tpu.assume_multiple %mul3A_502, 128 : i32
    %dma_start3A_504 = arith.constant 2 : i32
    %dma_start3A_505 = arith.constant 3 : i32
    %dma_start3A_506 = arith.constant 0 : i32
    %dma_start3A_507 = arith.constant 0 : i32
    %dma_start3A_508 = tpu.memref_slice %arg12[%dma_start3A_504, %dma_start3A_505, %dma_start3A_506, %dma_start3A_507] : memref<3x4x32x128xf32, #tpu.memory_space<vmem>> -> memref<1x1x32x128xf32, #tpu.memory_space<vmem>>
    %dma_start3A_509 = tpu.memref_squeeze %dma_start3A_508 : memref<1x1x32x128xf32, #tpu.memory_space<vmem>> -> memref<32x128xf32, #tpu.memory_space<vmem>>
    %dma_start3A_510 = arith.constant 0 : i32
    %dma_start3A_511 = tpu.memref_slice %arg4[%dma_start3A_510, %multiple_of3A_498] : memref<32x1000000xf32, #tpu.memory_space<hbm>> -> memref<32x128xf32, #tpu.memory_space<hbm>>
    %dma_start3A_512 = arith.constant 0 : i32
    %dma_start3A_513 = arith.constant 0 : i32
    %dma_start3A_514 = tpu.memref_slice %arg12[%dma_start3A_504, %dma_start3A_505, %dma_start3A_512, %dma_start3A_513] : memref<3x4x32x128xf32, #tpu.memory_space<vmem>> -> memref<1x1x32x128xf32, #tpu.memory_space<vmem>>
    %dma_start3A_515 = tpu.memref_squeeze %dma_start3A_514 : memref<1x1x32x128xf32, #tpu.memory_space<vmem>> -> memref<32x128xf32, #tpu.memory_space<vmem>>
    %dma_start3A_516 = arith.constant 0 : i32
    %dma_start3A_517 = tpu.memref_slice %arg4[%dma_start3A_516, %multiple_of3A_498] : memref<32x1000000xf32, #tpu.memory_space<hbm>> -> memref<32x128xf32, #tpu.memory_space<hbm>>
    tpu.enqueue_dma source(%dma_start3A_517 : memref<32x128xf32, #tpu.memory_space<hbm>>) target(%dma_start3A_515 : memref<32x128xf32, #tpu.memory_space<vmem>>) target_semaphore(%arg19 : memref<!tpu.dma_semaphore, #tpu.memory_space<semaphore_mem>>)
    %dma_start3A_518 = arith.constant 2 : i32
    %dma_start3A_519 = arith.constant 3 : i32
    %dma_start3A_520 = arith.constant 0 : i32
    %dma_start3A_521 = arith.constant 0 : i32
    %dma_start3A_522 = tpu.memref_slice %arg13[%dma_start3A_518, %dma_start3A_519, %dma_start3A_520, %dma_start3A_521] : memref<3x4x32x128xf32, #tpu.memory_space<vmem>> -> memref<1x1x32x128xf32, #tpu.memory_space<vmem>>
    %dma_start3A_523 = tpu.memref_squeeze %dma_start3A_522 : memref<1x1x32x128xf32, #tpu.memory_space<vmem>> -> memref<32x128xf32, #tpu.memory_space<vmem>>
    %dma_start3A_524 = arith.constant 0 : i32
    %dma_start3A_525 = tpu.memref_slice %arg5[%dma_start3A_524, %multiple_of3A_503] : memref<32x1000000xf32, #tpu.memory_space<hbm>> -> memref<32x128xf32, #tpu.memory_space<hbm>>
    %dma_start3A_526 = arith.constant 0 : i32
    %dma_start3A_527 = arith.constant 0 : i32
    %dma_start3A_528 = tpu.memref_slice %arg13[%dma_start3A_518, %dma_start3A_519, %dma_start3A_526, %dma_start3A_527] : memref<3x4x32x128xf32, #tpu.memory_space<vmem>> -> memref<1x1x32x128xf32, #tpu.memory_space<vmem>>
    %dma_start3A_529 = tpu.memref_squeeze %dma_start3A_528 : memref<1x1x32x128xf32, #tpu.memory_space<vmem>> -> memref<32x128xf32, #tpu.memory_space<vmem>>
    %dma_start3A_530 = arith.constant 0 : i32
    %dma_start3A_531 = tpu.memref_slice %arg5[%dma_start3A_530, %multiple_of3A_503] : memref<32x1000000xf32, #tpu.memory_space<hbm>> -> memref<32x128xf32, #tpu.memory_space<hbm>>
    tpu.enqueue_dma source(%dma_start3A_531 : memref<32x128xf32, #tpu.memory_space<hbm>>) target(%dma_start3A_529 : memref<32x128xf32, #tpu.memory_space<vmem>>) target_semaphore(%arg20 : memref<!tpu.dma_semaphore, #tpu.memory_space<semaphore_mem>>)
    %broadcast_in_dim3A = arith.constant 0.000000e+00 : f32
    %broadcast_in_dim3A_532 = vector.broadcast %broadcast_in_dim3A : f32 to vector<16xf32>
    %scan3A = arith.constant 0 : i32
    %scan3A_533 = arith.constant 128 : i32
    %scan3A_534 = arith.addi %scan3A, %scan3A_533 : i32
    %scan3A_535 = arith.constant 1 : i32
    %scan3A_536 = scf.for %scan3A_550 = %scan3A to %scan3A_534 step %scan3A_535 iter_args(%scan3A_551 = %broadcast_in_dim3A_532) -> (vector<16xf32>)  : i32 {
      %rem3A = arith.constant 3 : i32
      %rem3A_552 = arith.remsi %scan3A_550, %rem3A : i32
      %dma_wait3A_553 = arith.constant 0 : i32
      %dma_wait3A_554 = arith.constant 0 : i32
      %dma_wait3A_555 = arith.constant 0 : i32
      %dma_wait3A_556 = tpu.memref_slice %arg12[%rem3A_552, %dma_wait3A_553, %dma_wait3A_554, %dma_wait3A_555] : memref<3x4x32x128xf32, #tpu.memory_space<vmem>> -> memref<1x4x32x128xf32, #tpu.memory_space<vmem>>
      %dma_wait3A_557 = tpu.memref_squeeze %dma_wait3A_556 : memref<1x4x32x128xf32, #tpu.memory_space<vmem>> -> memref<4x32x128xf32, #tpu.memory_space<vmem>>
      %dma_wait3A_558 = arith.constant 0 : i32
      %dma_wait3A_559 = arith.constant 0 : i32
      %dma_wait3A_560 = tpu.memref_slice %arg4[%dma_wait3A_558, %dma_wait3A_559] : memref<32x1000000xf32, #tpu.memory_space<hbm>> -> memref<32x512xf32, #tpu.memory_space<hbm>>
      %dma_wait3A_561 = arith.constant 0 : i32
      %dma_wait3A_562 = arith.constant 0 : i32
      %dma_wait3A_563 = arith.constant 0 : i32
      %dma_wait3A_564 = tpu.memref_slice %arg12[%rem3A_552, %dma_wait3A_561, %dma_wait3A_562, %dma_wait3A_563] : memref<3x4x32x128xf32, #tpu.memory_space<vmem>> -> memref<1x4x32x128xf32, #tpu.memory_space<vmem>>
      %dma_wait3A_565 = tpu.memref_squeeze %dma_wait3A_564 : memref<1x4x32x128xf32, #tpu.memory_space<vmem>> -> memref<4x32x128xf32, #tpu.memory_space<vmem>>
      %dma_wait3A_566 = arith.constant 0 : i32
      %dma_wait3A_567 = arith.constant 0 : i32
      %dma_wait3A_568 = tpu.memref_slice %arg4[%dma_wait3A_566, %dma_wait3A_567] : memref<32x1000000xf32, #tpu.memory_space<hbm>> -> memref<32x512xf32, #tpu.memory_space<hbm>>
      tpu.wait_dma2 semaphore(%arg19 : memref<!tpu.dma_semaphore, #tpu.memory_space<semaphore_mem>>) src(%dma_wait3A_568 : memref<32x512xf32, #tpu.memory_space<hbm>>) dst(%dma_wait3A_565 : memref<4x32x128xf32, #tpu.memory_space<vmem>>)
      %dma_wait3A_569 = arith.constant 0 : i32
      %dma_wait3A_570 = arith.constant 0 : i32
      %dma_wait3A_571 = arith.constant 0 : i32
      %dma_wait3A_572 = tpu.memref_slice %arg13[%rem3A_552, %dma_wait3A_569, %dma_wait3A_570, %dma_wait3A_571] : memref<3x4x32x128xf32, #tpu.memory_space<vmem>> -> memref<1x4x32x128xf32, #tpu.memory_space<vmem>>
      %dma_wait3A_573 = tpu.memref_squeeze %dma_wait3A_572 : memref<1x4x32x128xf32, #tpu.memory_space<vmem>> -> memref<4x32x128xf32, #tpu.memory_space<vmem>>
      %dma_wait3A_574 = arith.constant 0 : i32
      %dma_wait3A_575 = arith.constant 0 : i32
      %dma_wait3A_576 = tpu.memref_slice %arg5[%dma_wait3A_574, %dma_wait3A_575] : memref<32x1000000xf32, #tpu.memory_space<hbm>> -> memref<32x512xf32, #tpu.memory_space<hbm>>
      %dma_wait3A_577 = arith.constant 0 : i32
      %dma_wait3A_578 = arith.constant 0 : i32
      %dma_wait3A_579 = arith.constant 0 : i32
      %dma_wait3A_580 = tpu.memref_slice %arg13[%rem3A_552, %dma_wait3A_577, %dma_wait3A_578, %dma_wait3A_579] : memref<3x4x32x128xf32, #tpu.memory_space<vmem>> -> memref<1x4x32x128xf32, #tpu.memory_space<vmem>>
      %dma_wait3A_581 = tpu.memref_squeeze %dma_wait3A_580 : memref<1x4x32x128xf32, #tpu.memory_space<vmem>> -> memref<4x32x128xf32, #tpu.memory_space<vmem>>
      %dma_wait3A_582 = arith.constant 0 : i32
      %dma_wait3A_583 = arith.constant 0 : i32
      %dma_wait3A_584 = tpu.memref_slice %arg5[%dma_wait3A_582, %dma_wait3A_583] : memref<32x1000000xf32, #tpu.memory_space<hbm>> -> memref<32x512xf32, #tpu.memory_space<hbm>>
      tpu.wait_dma2 semaphore(%arg20 : memref<!tpu.dma_semaphore, #tpu.memory_space<semaphore_mem>>) src(%dma_wait3A_584 : memref<32x512xf32, #tpu.memory_space<hbm>>) dst(%dma_wait3A_581 : memref<4x32x128xf32, #tpu.memory_space<vmem>>)
      %broadcast_in_dim3A_585 = vector.broadcast %rem3A_552 : i32 to vector<16xi32>
      %mul3A_586 = arith.constant 4 : i32
      %mul3A_587 = arith.muli %scan3A_550, %mul3A_586 : i32
      %add3A_588 = vector.broadcast %mul3A_587 : i32 to vector<16xi32>
      %add3A_589 = arith.addi %add3A_588, %shift_right_arithmetic3A_7 : vector<16xi32>
      %gather3A_590 = tpu.vector_load_idx %arg10[%add3A_589] : memref<512xi32, #tpu.memory_space<vmem>>[vector<16xi32>], vector<16xi32>,
      %mul3A_591 = arith.constant 4 : i32
      %mul3A_592 = arith.muli %scan3A_550, %mul3A_591 : i32
      %add3A_593 = vector.broadcast %mul3A_592 : i32 to vector<16xi32>
      %add3A_594 = arith.addi %add3A_593, %shift_right_arithmetic3A_7 : vector<16xi32>
      %gather3A_595 = tpu.vector_load_idx %arg11[%add3A_594] : memref<512xi32, #tpu.memory_space<vmem>>[vector<16xi32>], vector<16xi32>,
      %broadcast_in_dim3A_596 = arith.constant 0 : i32
      %broadcast_in_dim3A_597 = vector.broadcast %broadcast_in_dim3A_596 : i32 to vector<16xi32>
      %slice3A_598 = vector.extract_strided_slice %gather3A_590 {offsets = [0], sizes = [1], strides = [1]} : vector<16xi32> to vector<1xi32>
      %squeeze3A_599 = vector.extract %slice3A_598[0] : i32 from vector<1xi32>
      %and3A = arith.constant 127 : i32
      %and3A_600 = arith.andi %squeeze3A_599, %and3A : i32
      %broadcast_in_dim3A_601 = vector.broadcast %and3A_600 : i32 to vector<16xi32>
      %slice3A_602 = vector.extract_strided_slice %gather3A_595 {offsets = [0], sizes = [1], strides = [1]} : vector<16xi32> to vector<1xi32>
      %squeeze3A_603 = vector.extract %slice3A_602[0] : i32 from vector<1xi32>
      %and3A_604 = arith.constant 127 : i32
      %and3A_605 = arith.andi %squeeze3A_603, %and3A_604 : i32
      %broadcast_in_dim3A_606 = vector.broadcast %and3A_605 : i32 to vector<16xi32>
      %gather3A_607 = tpu.vector_load_idx %arg12[%broadcast_in_dim3A_585, %broadcast_in_dim3A_597, %iota3A, %broadcast_in_dim3A_601] : memref<3x4x32x128xf32, #tpu.memory_space<vmem>>[vector<16xi32>, vector<16xi32>, vector<16xi32>, vector<16xi32>], vector<16xf32>,
      %add3A_608 = arith.constant 16 : i32
      %add3A_609 = vector.broadcast %add3A_608 : i32 to vector<16xi32>
      %add3A_610 = arith.addi %add3A_609, %iota3A : vector<16xi32>
      %gather3A_611 = tpu.vector_load_idx %arg12[%broadcast_in_dim3A_585, %broadcast_in_dim3A_597, %add3A_610, %broadcast_in_dim3A_601] : memref<3x4x32x128xf32, #tpu.memory_space<vmem>>[vector<16xi32>, vector<16xi32>, vector<16xi32>, vector<16xi32>], vector<16xf32>,
      %gather3A_612 = tpu.vector_load_idx %arg13[%broadcast_in_dim3A_585, %broadcast_in_dim3A_597, %iota3A, %broadcast_in_dim3A_606] : memref<3x4x32x128xf32, #tpu.memory_space<vmem>>[vector<16xi32>, vector<16xi32>, vector<16xi32>, vector<16xi32>], vector<16xf32>,
      %add3A_613 = arith.constant 16 : i32
      %add3A_614 = vector.broadcast %add3A_613 : i32 to vector<16xi32>
      %add3A_615 = arith.addi %add3A_614, %iota3A : vector<16xi32>
      %gather3A_616 = tpu.vector_load_idx %arg13[%broadcast_in_dim3A_585, %broadcast_in_dim3A_597, %add3A_615, %broadcast_in_dim3A_606] : memref<3x4x32x128xf32, #tpu.memory_space<vmem>>[vector<16xi32>, vector<16xi32>, vector<16xi32>, vector<16xi32>], vector<16xf32>,
      %mul3A_617 = arith.mulf %gather3A_607, %gather3A_612 : vector<16xf32>
      %mul3A_618 = arith.mulf %gather3A_611, %gather3A_616 : vector<16xf32>
      %add3A_619 = arith.addf %mul3A_617, %mul3A_618 : vector<16xf32>
      %reduce_sum3A = arith.constant true
      %reduce_sum3A_620 = vector.broadcast %reduce_sum3A : i1 to vector<16xi1>
      %reduce_sum3A_621 = tpu.scan <sum>, %add3A_619 masked %reduce_sum3A_620 : vector<16xf32>, vector<16xi1> -> vector<16xf32>
      %reduce_sum3A_622 = vector.extract %reduce_sum3A_621[15] : f32 from vector<16xf32>
      %and3A_623 = arith.constant 3 : i32
      %and3A_624 = arith.andi %scan3A_550, %and3A_623 : i32
      %mul3A_625 = arith.constant 4 : i32
      %mul3A_626 = arith.muli %and3A_624, %mul3A_625 : i32
      %add3A_627 = arith.constant 0 : i32
      %add3A_628 = arith.addi %mul3A_626, %add3A_627 : i32
      %eq3A = vector.broadcast %add3A_628 : i32 to vector<16xi32>
      %eq3A_629 = arith.cmpi eq, %iota3A, %eq3A : vector<16xi32>
      %broadcast_in_dim3A_630 = vector.broadcast %reduce_sum3A_622 : f32 to vector<16xf32>
      %select_n3A = arith.select %eq3A_629, %broadcast_in_dim3A_630, %scan3A_551 : vector<16xi1>, vector<16xf32>
      %broadcast_in_dim3A_631 = arith.constant 1 : i32
      %broadcast_in_dim3A_632 = vector.broadcast %broadcast_in_dim3A_631 : i32 to vector<16xi32>
      %slice3A_633 = vector.extract_strided_slice %gather3A_590 {offsets = [4], sizes = [1], strides = [1]} : vector<16xi32> to vector<1xi32>
      %squeeze3A_634 = vector.extract %slice3A_633[0] : i32 from vector<1xi32>
      %and3A_635 = arith.constant 127 : i32
      %and3A_636 = arith.andi %squeeze3A_634, %and3A_635 : i32
      %broadcast_in_dim3A_637 = vector.broadcast %and3A_636 : i32 to vector<16xi32>
      %slice3A_638 = vector.extract_strided_slice %gather3A_595 {offsets = [4], sizes = [1], strides = [1]} : vector<16xi32> to vector<1xi32>
      %squeeze3A_639 = vector.extract %slice3A_638[0] : i32 from vector<1xi32>
      %and3A_640 = arith.constant 127 : i32
      %and3A_641 = arith.andi %squeeze3A_639, %and3A_640 : i32
      %broadcast_in_dim3A_642 = vector.broadcast %and3A_641 : i32 to vector<16xi32>
      %gather3A_643 = tpu.vector_load_idx %arg12[%broadcast_in_dim3A_585, %broadcast_in_dim3A_632, %iota3A, %broadcast_in_dim3A_637] : memref<3x4x32x128xf32, #tpu.memory_space<vmem>>[vector<16xi32>, vector<16xi32>, vector<16xi32>, vector<16xi32>], vector<16xf32>,
      %add3A_644 = arith.constant 16 : i32
      %add3A_645 = vector.broadcast %add3A_644 : i32 to vector<16xi32>
      %add3A_646 = arith.addi %add3A_645, %iota3A : vector<16xi32>
      %gather3A_647 = tpu.vector_load_idx %arg12[%broadcast_in_dim3A_585, %broadcast_in_dim3A_632, %add3A_646, %broadcast_in_dim3A_637] : memref<3x4x32x128xf32, #tpu.memory_space<vmem>>[vector<16xi32>, vector<16xi32>, vector<16xi32>, vector<16xi32>], vector<16xf32>,
      %gather3A_648 = tpu.vector_load_idx %arg13[%broadcast_in_dim3A_585, %broadcast_in_dim3A_632, %iota3A, %broadcast_in_dim3A_642] : memref<3x4x32x128xf32, #tpu.memory_space<vmem>>[vector<16xi32>, vector<16xi32>, vector<16xi32>, vector<16xi32>], vector<16xf32>,
      %add3A_649 = arith.constant 16 : i32
      %add3A_650 = vector.broadcast %add3A_649 : i32 to vector<16xi32>
      %add3A_651 = arith.addi %add3A_650, %iota3A : vector<16xi32>
      %gather3A_652 = tpu.vector_load_idx %arg13[%broadcast_in_dim3A_585, %broadcast_in_dim3A_632, %add3A_651, %broadcast_in_dim3A_642] : memref<3x4x32x128xf32, #tpu.memory_space<vmem>>[vector<16xi32>, vector<16xi32>, vector<16xi32>, vector<16xi32>], vector<16xf32>,
      %mul3A_653 = arith.mulf %gather3A_643, %gather3A_648 : vector<16xf32>
      %mul3A_654 = arith.mulf %gather3A_647, %gather3A_652 : vector<16xf32>
      %add3A_655 = arith.addf %mul3A_653, %mul3A_654 : vector<16xf32>
      %reduce_sum3A_656 = arith.constant true
      %reduce_sum3A_657 = vector.broadcast %reduce_sum3A_656 : i1 to vector<16xi1>
      %reduce_sum3A_658 = tpu.scan <sum>, %add3A_655 masked %reduce_sum3A_657 : vector<16xf32>, vector<16xi1> -> vector<16xf32>
      %reduce_sum3A_659 = vector.extract %reduce_sum3A_658[15] : f32 from vector<16xf32>
      %and3A_660 = arith.constant 3 : i32
      %and3A_661 = arith.andi %scan3A_550, %and3A_660 : i32
      %mul3A_662 = arith.constant 4 : i32
      %mul3A_663 = arith.muli %and3A_661, %mul3A_662 : i32
      %add3A_664 = arith.constant 1 : i32
      %add3A_665 = arith.addi %mul3A_663, %add3A_664 : i32
      %eq3A_666 = vector.broadcast %add3A_665 : i32 to vector<16xi32>
      %eq3A_667 = arith.cmpi eq, %iota3A, %eq3A_666 : vector<16xi32>
      %broadcast_in_dim3A_668 = vector.broadcast %reduce_sum3A_659 : f32 to vector<16xf32>
      %select_n3A_669 = arith.select %eq3A_667, %broadcast_in_dim3A_668, %select_n3A : vector<16xi1>, vector<16xf32>
      %broadcast_in_dim3A_670 = arith.constant 2 : i32
      %broadcast_in_dim3A_671 = vector.broadcast %broadcast_in_dim3A_670 : i32 to vector<16xi32>
      %slice3A_672 = vector.extract_strided_slice %gather3A_590 {offsets = [8], sizes = [1], strides = [1]} : vector<16xi32> to vector<1xi32>
      %squeeze3A_673 = vector.extract %slice3A_672[0] : i32 from vector<1xi32>
      %and3A_674 = arith.constant 127 : i32
      %and3A_675 = arith.andi %squeeze3A_673, %and3A_674 : i32
      %broadcast_in_dim3A_676 = vector.broadcast %and3A_675 : i32 to vector<16xi32>
      %slice3A_677 = vector.extract_strided_slice %gather3A_595 {offsets = [8], sizes = [1], strides = [1]} : vector<16xi32> to vector<1xi32>
      %squeeze3A_678 = vector.extract %slice3A_677[0] : i32 from vector<1xi32>
      %and3A_679 = arith.constant 127 : i32
      %and3A_680 = arith.andi %squeeze3A_678, %and3A_679 : i32
      %broadcast_in_dim3A_681 = vector.broadcast %and3A_680 : i32 to vector<16xi32>
      %gather3A_682 = tpu.vector_load_idx %arg12[%broadcast_in_dim3A_585, %broadcast_in_dim3A_671, %iota3A, %broadcast_in_dim3A_676] : memref<3x4x32x128xf32, #tpu.memory_space<vmem>>[vector<16xi32>, vector<16xi32>, vector<16xi32>, vector<16xi32>], vector<16xf32>,
      %add3A_683 = arith.constant 16 : i32
      %add3A_684 = vector.broadcast %add3A_683 : i32 to vector<16xi32>
      %add3A_685 = arith.addi %add3A_684, %iota3A : vector<16xi32>
      %gather3A_686 = tpu.vector_load_idx %arg12[%broadcast_in_dim3A_585, %broadcast_in_dim3A_671, %add3A_685, %broadcast_in_dim3A_676] : memref<3x4x32x128xf32, #tpu.memory_space<vmem>>[vector<16xi32>, vector<16xi32>, vector<16xi32>, vector<16xi32>], vector<16xf32>,
      %gather3A_687 = tpu.vector_load_idx %arg13[%broadcast_in_dim3A_585, %broadcast_in_dim3A_671, %iota3A, %broadcast_in_dim3A_681] : memref<3x4x32x128xf32, #tpu.memory_space<vmem>>[vector<16xi32>, vector<16xi32>, vector<16xi32>, vector<16xi32>], vector<16xf32>,
      %add3A_688 = arith.constant 16 : i32
      %add3A_689 = vector.broadcast %add3A_688 : i32 to vector<16xi32>
      %add3A_690 = arith.addi %add3A_689, %iota3A : vector<16xi32>
      %gather3A_691 = tpu.vector_load_idx %arg13[%broadcast_in_dim3A_585, %broadcast_in_dim3A_671, %add3A_690, %broadcast_in_dim3A_681] : memref<3x4x32x128xf32, #tpu.memory_space<vmem>>[vector<16xi32>, vector<16xi32>, vector<16xi32>, vector<16xi32>], vector<16xf32>,
      %mul3A_692 = arith.mulf %gather3A_682, %gather3A_687 : vector<16xf32>
      %mul3A_693 = arith.mulf %gather3A_686, %gather3A_691 : vector<16xf32>
      %add3A_694 = arith.addf %mul3A_692, %mul3A_693 : vector<16xf32>
      %reduce_sum3A_695 = arith.constant true
      %reduce_sum3A_696 = vector.broadcast %reduce_sum3A_695 : i1 to vector<16xi1>
      %reduce_sum3A_697 = tpu.scan <sum>, %add3A_694 masked %reduce_sum3A_696 : vector<16xf32>, vector<16xi1> -> vector<16xf32>
      %reduce_sum3A_698 = vector.extract %reduce_sum3A_697[15] : f32 from vector<16xf32>
      %and3A_699 = arith.constant 3 : i32
      %and3A_700 = arith.andi %scan3A_550, %and3A_699 : i32
      %mul3A_701 = arith.constant 4 : i32
      %mul3A_702 = arith.muli %and3A_700, %mul3A_701 : i32
      %add3A_703 = arith.constant 2 : i32
      %add3A_704 = arith.addi %mul3A_702, %add3A_703 : i32
      %eq3A_705 = vector.broadcast %add3A_704 : i32 to vector<16xi32>
      %eq3A_706 = arith.cmpi eq, %iota3A, %eq3A_705 : vector<16xi32>
      %broadcast_in_dim3A_707 = vector.broadcast %reduce_sum3A_698 : f32 to vector<16xf32>
      %select_n3A_708 = arith.select %eq3A_706, %broadcast_in_dim3A_707, %select_n3A_669 : vector<16xi1>, vector<16xf32>
      %broadcast_in_dim3A_709 = arith.constant 3 : i32
      %broadcast_in_dim3A_710 = vector.broadcast %broadcast_in_dim3A_709 : i32 to vector<16xi32>
      %slice3A_711 = vector.extract_strided_slice %gather3A_590 {offsets = [12], sizes = [1], strides = [1]} : vector<16xi32> to vector<1xi32>
      %squeeze3A_712 = vector.extract %slice3A_711[0] : i32 from vector<1xi32>
      %and3A_713 = arith.constant 127 : i32
      %and3A_714 = arith.andi %squeeze3A_712, %and3A_713 : i32
      %broadcast_in_dim3A_715 = vector.broadcast %and3A_714 : i32 to vector<16xi32>
      %slice3A_716 = vector.extract_strided_slice %gather3A_595 {offsets = [12], sizes = [1], strides = [1]} : vector<16xi32> to vector<1xi32>
      %squeeze3A_717 = vector.extract %slice3A_716[0] : i32 from vector<1xi32>
      %and3A_718 = arith.constant 127 : i32
      %and3A_719 = arith.andi %squeeze3A_717, %and3A_718 : i32
      %broadcast_in_dim3A_720 = vector.broadcast %and3A_719 : i32 to vector<16xi32>
      %gather3A_721 = tpu.vector_load_idx %arg12[%broadcast_in_dim3A_585, %broadcast_in_dim3A_710, %iota3A, %broadcast_in_dim3A_715] : memref<3x4x32x128xf32, #tpu.memory_space<vmem>>[vector<16xi32>, vector<16xi32>, vector<16xi32>, vector<16xi32>], vector<16xf32>,
      %add3A_722 = arith.constant 16 : i32
      %add3A_723 = vector.broadcast %add3A_722 : i32 to vector<16xi32>
      %add3A_724 = arith.addi %add3A_723, %iota3A : vector<16xi32>
      %gather3A_725 = tpu.vector_load_idx %arg12[%broadcast_in_dim3A_585, %broadcast_in_dim3A_710, %add3A_724, %broadcast_in_dim3A_715] : memref<3x4x32x128xf32, #tpu.memory_space<vmem>>[vector<16xi32>, vector<16xi32>, vector<16xi32>, vector<16xi32>], vector<16xf32>,
      %gather3A_726 = tpu.vector_load_idx %arg13[%broadcast_in_dim3A_585, %broadcast_in_dim3A_710, %iota3A, %broadcast_in_dim3A_720] : memref<3x4x32x128xf32, #tpu.memory_space<vmem>>[vector<16xi32>, vector<16xi32>, vector<16xi32>, vector<16xi32>], vector<16xf32>,
      %add3A_727 = arith.constant 16 : i32
      %add3A_728 = vector.broadcast %add3A_727 : i32 to vector<16xi32>
      %add3A_729 = arith.addi %add3A_728, %iota3A : vector<16xi32>
      %gather3A_730 = tpu.vector_load_idx %arg13[%broadcast_in_dim3A_585, %broadcast_in_dim3A_710, %add3A_729, %broadcast_in_dim3A_720] : memref<3x4x32x128xf32, #tpu.memory_space<vmem>>[vector<16xi32>, vector<16xi32>, vector<16xi32>, vector<16xi32>], vector<16xf32>,
      %mul3A_731 = arith.mulf %gather3A_721, %gather3A_726 : vector<16xf32>
      %mul3A_732 = arith.mulf %gather3A_725, %gather3A_730 : vector<16xf32>
      %add3A_733 = arith.addf %mul3A_731, %mul3A_732 : vector<16xf32>
      %reduce_sum3A_734 = arith.constant true
      %reduce_sum3A_735 = vector.broadcast %reduce_sum3A_734 : i1 to vector<16xi1>
      %reduce_sum3A_736 = tpu.scan <sum>, %add3A_733 masked %reduce_sum3A_735 : vector<16xf32>, vector<16xi1> -> vector<16xf32>
      %reduce_sum3A_737 = vector.extract %reduce_sum3A_736[15] : f32 from vector<16xf32>
      %and3A_738 = arith.constant 3 : i32
      %and3A_739 = arith.andi %scan3A_550, %and3A_738 : i32
      %mul3A_740 = arith.constant 4 : i32
      %mul3A_741 = arith.muli %and3A_739, %mul3A_740 : i32
      %add3A_742 = arith.constant 3 : i32
      %add3A_743 = arith.addi %mul3A_741, %add3A_742 : i32
      %eq3A_744 = vector.broadcast %add3A_743 : i32 to vector<16xi32>
      %eq3A_745 = arith.cmpi eq, %iota3A, %eq3A_744 : vector<16xi32>
      %broadcast_in_dim3A_746 = vector.broadcast %reduce_sum3A_737 : f32 to vector<16xf32>
      %select_n3A_747 = arith.select %eq3A_745, %broadcast_in_dim3A_746, %select_n3A_708 : vector<16xi1>, vector<16xf32>
      %and3A_748 = arith.constant 3 : i32
      %and3A_749 = arith.andi %scan3A_550, %and3A_748 : i32
      %eq3A_750 = arith.constant 3 : i32
      %eq3A_751 = arith.cmpi eq, %and3A_749, %eq3A_750 : i32
      %convert_element_type3A = arith.extui %eq3A_751 : i1 to i32
      %cond3A = arith.constant 0 : i32
      %cond3A_752 = arith.cmpi ne, %convert_element_type3A, %cond3A : i32
      scf.if %cond3A_752 {
        %shift_right_arithmetic3A_764 = arith.constant 2 : i32
        %shift_right_arithmetic3A_765 = arith.shrsi %scan3A_550, %shift_right_arithmetic3A_764 : i32
        %mul3A_766 = arith.constant 16 : i32
        %mul3A_767 = arith.muli %shift_right_arithmetic3A_765, %mul3A_766 : i32
        %swap3A = arith.index_cast %mul3A_767 : i32 to index
        %swap3A_768 = tpu.vector_load %arg17[%swap3A] {strides = array<i32>} : memref<512xf32, #tpu.memory_space<vmem>>, vector<16xf32>,
        tpu.vector_store %arg17[%swap3A], %select_n3A_747 {strides = array<i32>} : memref<512xf32, #tpu.memory_space<vmem>>, vector<16xf32>,
      } else {
      }
      %lt3A = arith.constant 125 : i32
      %lt3A_753 = arith.cmpi slt, %scan3A_550, %lt3A : i32
      %convert_element_type3A_754 = arith.extui %lt3A_753 : i1 to i32
      %cond3A_755 = arith.constant 0 : i32
      %cond3A_756 = arith.cmpi ne, %convert_element_type3A_754, %cond3A_755 : i32
      scf.if %cond3A_756 {
        %add3A_764 = arith.constant 3 : i32
        %add3A_765 = arith.addi %scan3A_550, %add3A_764 : i32
        %mul3A_766 = arith.constant 4 : i32
        %mul3A_767 = arith.muli %add3A_765, %mul3A_766 : i32
        %add3A_768 = vector.broadcast %mul3A_767 : i32 to vector<16xi32>
        %add3A_769 = arith.addi %add3A_768, %shift_right_arithmetic3A_7 : vector<16xi32>
        %gather3A_770 = tpu.vector_load_idx %arg10[%add3A_769] : memref<512xi32, #tpu.memory_space<vmem>>[vector<16xi32>], vector<16xi32>,
        %mul3A_771 = arith.constant 4 : i32
        %mul3A_772 = arith.muli %add3A_765, %mul3A_771 : i32
        %add3A_773 = vector.broadcast %mul3A_772 : i32 to vector<16xi32>
        %add3A_774 = arith.addi %add3A_773, %shift_right_arithmetic3A_7 : vector<16xi32>
        %gather3A_775 = tpu.vector_load_idx %arg11[%add3A_774] : memref<512xi32, #tpu.memory_space<vmem>>[vector<16xi32>], vector<16xi32>,
        %slice3A_776 = vector.extract_strided_slice %gather3A_770 {offsets = [0], sizes = [1], strides = [1]} : vector<16xi32> to vector<1xi32>
        %squeeze3A_777 = vector.extract %slice3A_776[0] : i32 from vector<1xi32>
        %slice3A_778 = vector.extract_strided_slice %gather3A_775 {offsets = [0], sizes = [1], strides = [1]} : vector<16xi32> to vector<1xi32>
        %squeeze3A_779 = vector.extract %slice3A_778[0] : i32 from vector<1xi32>
        %shift_right_arithmetic3A_780 = arith.constant 7 : i32
        %shift_right_arithmetic3A_781 = arith.shrsi %squeeze3A_777, %shift_right_arithmetic3A_780 : i32
        %mul3A_782 = arith.constant 128 : i32
        %mul3A_783 = arith.muli %shift_right_arithmetic3A_781, %mul3A_782 : i32
        %multiple_of3A_784 = tpu.assume_multiple %mul3A_783, 128 : i32
        %shift_right_arithmetic3A_785 = arith.constant 7 : i32
        %shift_right_arithmetic3A_786 = arith.shrsi %squeeze3A_779, %shift_right_arithmetic3A_785 : i32
        %mul3A_787 = arith.constant 128 : i32
        %mul3A_788 = arith.muli %shift_right_arithmetic3A_786, %mul3A_787 : i32
        %multiple_of3A_789 = tpu.assume_multiple %mul3A_788, 128 : i32
        %dma_start3A_790 = arith.constant 0 : i32
        %dma_start3A_791 = arith.constant 0 : i32
        %dma_start3A_792 = arith.constant 0 : i32
        %dma_start3A_793 = tpu.memref_slice %arg12[%rem3A_552, %dma_start3A_790, %dma_start3A_791, %dma_start3A_792] : memref<3x4x32x128xf32, #tpu.memory_space<vmem>> -> memref<1x1x32x128xf32, #tpu.memory_space<vmem>>
        %dma_start3A_794 = tpu.memref_squeeze %dma_start3A_793 : memref<1x1x32x128xf32, #tpu.memory_space<vmem>> -> memref<32x128xf32, #tpu.memory_space<vmem>>
        %dma_start3A_795 = arith.constant 0 : i32
        %dma_start3A_796 = tpu.memref_slice %arg4[%dma_start3A_795, %multiple_of3A_784] : memref<32x1000000xf32, #tpu.memory_space<hbm>> -> memref<32x128xf32, #tpu.memory_space<hbm>>
        %dma_start3A_797 = arith.constant 0 : i32
        %dma_start3A_798 = arith.constant 0 : i32
        %dma_start3A_799 = tpu.memref_slice %arg12[%rem3A_552, %dma_start3A_790, %dma_start3A_797, %dma_start3A_798] : memref<3x4x32x128xf32, #tpu.memory_space<vmem>> -> memref<1x1x32x128xf32, #tpu.memory_space<vmem>>
        %dma_start3A_800 = tpu.memref_squeeze %dma_start3A_799 : memref<1x1x32x128xf32, #tpu.memory_space<vmem>> -> memref<32x128xf32, #tpu.memory_space<vmem>>
        %dma_start3A_801 = arith.constant 0 : i32
        %dma_start3A_802 = tpu.memref_slice %arg4[%dma_start3A_801, %multiple_of3A_784] : memref<32x1000000xf32, #tpu.memory_space<hbm>> -> memref<32x128xf32, #tpu.memory_space<hbm>>
        tpu.enqueue_dma source(%dma_start3A_802 : memref<32x128xf32, #tpu.memory_space<hbm>>) target(%dma_start3A_800 : memref<32x128xf32, #tpu.memory_space<vmem>>) target_semaphore(%arg19 : memref<!tpu.dma_semaphore, #tpu.memory_space<semaphore_mem>>)
        %dma_start3A_803 = arith.constant 0 : i32
        %dma_start3A_804 = arith.constant 0 : i32
        %dma_start3A_805 = arith.constant 0 : i32
        %dma_start3A_806 = tpu.memref_slice %arg13[%rem3A_552, %dma_start3A_803, %dma_start3A_804, %dma_start3A_805] : memref<3x4x32x128xf32, #tpu.memory_space<vmem>> -> memref<1x1x32x128xf32, #tpu.memory_space<vmem>>
        %dma_start3A_807 = tpu.memref_squeeze %dma_start3A_806 : memref<1x1x32x128xf32, #tpu.memory_space<vmem>> -> memref<32x128xf32, #tpu.memory_space<vmem>>
        %dma_start3A_808 = arith.constant 0 : i32
        %dma_start3A_809 = tpu.memref_slice %arg5[%dma_start3A_808, %multiple_of3A_789] : memref<32x1000000xf32, #tpu.memory_space<hbm>> -> memref<32x128xf32, #tpu.memory_space<hbm>>
        %dma_start3A_810 = arith.constant 0 : i32
        %dma_start3A_811 = arith.constant 0 : i32
        %dma_start3A_812 = tpu.memref_slice %arg13[%rem3A_552, %dma_start3A_803, %dma_start3A_810, %dma_start3A_811] : memref<3x4x32x128xf32, #tpu.memory_space<vmem>> -> memref<1x1x32x128xf32, #tpu.memory_space<vmem>>
        %dma_start3A_813 = tpu.memref_squeeze %dma_start3A_812 : memref<1x1x32x128xf32, #tpu.memory_space<vmem>> -> memref<32x128xf32, #tpu.memory_space<vmem>>
        %dma_start3A_814 = arith.constant 0 : i32
        %dma_start3A_815 = tpu.memref_slice %arg5[%dma_start3A_814, %multiple_of3A_789] : memref<32x1000000xf32, #tpu.memory_space<hbm>> -> memref<32x128xf32, #tpu.memory_space<hbm>>
        tpu.enqueue_dma source(%dma_start3A_815 : memref<32x128xf32, #tpu.memory_space<hbm>>) target(%dma_start3A_813 : memref<32x128xf32, #tpu.memory_space<vmem>>) target_semaphore(%arg20 : memref<!tpu.dma_semaphore, #tpu.memory_space<semaphore_mem>>)
        %slice3A_816 = vector.extract_strided_slice %gather3A_770 {offsets = [4], sizes = [1], strides = [1]} : vector<16xi32> to vector<1xi32>
        %squeeze3A_817 = vector.extract %slice3A_816[0] : i32 from vector<1xi32>
        %slice3A_818 = vector.extract_strided_slice %gather3A_775 {offsets = [4], sizes = [1], strides = [1]} : vector<16xi32> to vector<1xi32>
        %squeeze3A_819 = vector.extract %slice3A_818[0] : i32 from vector<1xi32>
        %shift_right_arithmetic3A_820 = arith.constant 7 : i32
        %shift_right_arithmetic3A_821 = arith.shrsi %squeeze3A_817, %shift_right_arithmetic3A_820 : i32
        %mul3A_822 = arith.constant 128 : i32
        %mul3A_823 = arith.muli %shift_right_arithmetic3A_821, %mul3A_822 : i32
        %multiple_of3A_824 = tpu.assume_multiple %mul3A_823, 128 : i32
        %shift_right_arithmetic3A_825 = arith.constant 7 : i32
        %shift_right_arithmetic3A_826 = arith.shrsi %squeeze3A_819, %shift_right_arithmetic3A_825 : i32
        %mul3A_827 = arith.constant 128 : i32
        %mul3A_828 = arith.muli %shift_right_arithmetic3A_826, %mul3A_827 : i32
        %multiple_of3A_829 = tpu.assume_multiple %mul3A_828, 128 : i32
        %dma_start3A_830 = arith.constant 1 : i32
        %dma_start3A_831 = arith.constant 0 : i32
        %dma_start3A_832 = arith.constant 0 : i32
        %dma_start3A_833 = tpu.memref_slice %arg12[%rem3A_552, %dma_start3A_830, %dma_start3A_831, %dma_start3A_832] : memref<3x4x32x128xf32, #tpu.memory_space<vmem>> -> memref<1x1x32x128xf32, #tpu.memory_space<vmem>>
        %dma_start3A_834 = tpu.memref_squeeze %dma_start3A_833 : memref<1x1x32x128xf32, #tpu.memory_space<vmem>> -> memref<32x128xf32, #tpu.memory_space<vmem>>
        %dma_start3A_835 = arith.constant 0 : i32
        %dma_start3A_836 = tpu.memref_slice %arg4[%dma_start3A_835, %multiple_of3A_824] : memref<32x1000000xf32, #tpu.memory_space<hbm>> -> memref<32x128xf32, #tpu.memory_space<hbm>>
        %dma_start3A_837 = arith.constant 0 : i32
        %dma_start3A_838 = arith.constant 0 : i32
        %dma_start3A_839 = tpu.memref_slice %arg12[%rem3A_552, %dma_start3A_830, %dma_start3A_837, %dma_start3A_838] : memref<3x4x32x128xf32, #tpu.memory_space<vmem>> -> memref<1x1x32x128xf32, #tpu.memory_space<vmem>>
        %dma_start3A_840 = tpu.memref_squeeze %dma_start3A_839 : memref<1x1x32x128xf32, #tpu.memory_space<vmem>> -> memref<32x128xf32, #tpu.memory_space<vmem>>
        %dma_start3A_841 = arith.constant 0 : i32
        %dma_start3A_842 = tpu.memref_slice %arg4[%dma_start3A_841, %multiple_of3A_824] : memref<32x1000000xf32, #tpu.memory_space<hbm>> -> memref<32x128xf32, #tpu.memory_space<hbm>>
        tpu.enqueue_dma source(%dma_start3A_842 : memref<32x128xf32, #tpu.memory_space<hbm>>) target(%dma_start3A_840 : memref<32x128xf32, #tpu.memory_space<vmem>>) target_semaphore(%arg19 : memref<!tpu.dma_semaphore, #tpu.memory_space<semaphore_mem>>)
        %dma_start3A_843 = arith.constant 1 : i32
        %dma_start3A_844 = arith.constant 0 : i32
        %dma_start3A_845 = arith.constant 0 : i32
        %dma_start3A_846 = tpu.memref_slice %arg13[%rem3A_552, %dma_start3A_843, %dma_start3A_844, %dma_start3A_845] : memref<3x4x32x128xf32, #tpu.memory_space<vmem>> -> memref<1x1x32x128xf32, #tpu.memory_space<vmem>>
        %dma_start3A_847 = tpu.memref_squeeze %dma_start3A_846 : memref<1x1x32x128xf32, #tpu.memory_space<vmem>> -> memref<32x128xf32, #tpu.memory_space<vmem>>
        %dma_start3A_848 = arith.constant 0 : i32
        %dma_start3A_849 = tpu.memref_slice %arg5[%dma_start3A_848, %multiple_of3A_829] : memref<32x1000000xf32, #tpu.memory_space<hbm>> -> memref<32x128xf32, #tpu.memory_space<hbm>>
        %dma_start3A_850 = arith.constant 0 : i32
        %dma_start3A_851 = arith.constant 0 : i32
        %dma_start3A_852 = tpu.memref_slice %arg13[%rem3A_552, %dma_start3A_843, %dma_start3A_850, %dma_start3A_851] : memref<3x4x32x128xf32, #tpu.memory_space<vmem>> -> memref<1x1x32x128xf32, #tpu.memory_space<vmem>>
        %dma_start3A_853 = tpu.memref_squeeze %dma_start3A_852 : memref<1x1x32x128xf32, #tpu.memory_space<vmem>> -> memref<32x128xf32, #tpu.memory_space<vmem>>
        %dma_start3A_854 = arith.constant 0 : i32
        %dma_start3A_855 = tpu.memref_slice %arg5[%dma_start3A_854, %multiple_of3A_829] : memref<32x1000000xf32, #tpu.memory_space<hbm>> -> memref<32x128xf32, #tpu.memory_space<hbm>>
        tpu.enqueue_dma source(%dma_start3A_855 : memref<32x128xf32, #tpu.memory_space<hbm>>) target(%dma_start3A_853 : memref<32x128xf32, #tpu.memory_space<vmem>>) target_semaphore(%arg20 : memref<!tpu.dma_semaphore, #tpu.memory_space<semaphore_mem>>)
        %slice3A_856 = vector.extract_strided_slice %gather3A_770 {offsets = [8], sizes = [1], strides = [1]} : vector<16xi32> to vector<1xi32>
        %squeeze3A_857 = vector.extract %slice3A_856[0] : i32 from vector<1xi32>
        %slice3A_858 = vector.extract_strided_slice %gather3A_775 {offsets = [8], sizes = [1], strides = [1]} : vector<16xi32> to vector<1xi32>
        %squeeze3A_859 = vector.extract %slice3A_858[0] : i32 from vector<1xi32>
        %shift_right_arithmetic3A_860 = arith.constant 7 : i32
        %shift_right_arithmetic3A_861 = arith.shrsi %squeeze3A_857, %shift_right_arithmetic3A_860 : i32
        %mul3A_862 = arith.constant 128 : i32
        %mul3A_863 = arith.muli %shift_right_arithmetic3A_861, %mul3A_862 : i32
        %multiple_of3A_864 = tpu.assume_multiple %mul3A_863, 128 : i32
        %shift_right_arithmetic3A_865 = arith.constant 7 : i32
        %shift_right_arithmetic3A_866 = arith.shrsi %squeeze3A_859, %shift_right_arithmetic3A_865 : i32
        %mul3A_867 = arith.constant 128 : i32
        %mul3A_868 = arith.muli %shift_right_arithmetic3A_866, %mul3A_867 : i32
        %multiple_of3A_869 = tpu.assume_multiple %mul3A_868, 128 : i32
        %dma_start3A_870 = arith.constant 2 : i32
        %dma_start3A_871 = arith.constant 0 : i32
        %dma_start3A_872 = arith.constant 0 : i32
        %dma_start3A_873 = tpu.memref_slice %arg12[%rem3A_552, %dma_start3A_870, %dma_start3A_871, %dma_start3A_872] : memref<3x4x32x128xf32, #tpu.memory_space<vmem>> -> memref<1x1x32x128xf32, #tpu.memory_space<vmem>>
        %dma_start3A_874 = tpu.memref_squeeze %dma_start3A_873 : memref<1x1x32x128xf32, #tpu.memory_space<vmem>> -> memref<32x128xf32, #tpu.memory_space<vmem>>
        %dma_start3A_875 = arith.constant 0 : i32
        %dma_start3A_876 = tpu.memref_slice %arg4[%dma_start3A_875, %multiple_of3A_864] : memref<32x1000000xf32, #tpu.memory_space<hbm>> -> memref<32x128xf32, #tpu.memory_space<hbm>>
        %dma_start3A_877 = arith.constant 0 : i32
        %dma_start3A_878 = arith.constant 0 : i32
        %dma_start3A_879 = tpu.memref_slice %arg12[%rem3A_552, %dma_start3A_870, %dma_start3A_877, %dma_start3A_878] : memref<3x4x32x128xf32, #tpu.memory_space<vmem>> -> memref<1x1x32x128xf32, #tpu.memory_space<vmem>>
        %dma_start3A_880 = tpu.memref_squeeze %dma_start3A_879 : memref<1x1x32x128xf32, #tpu.memory_space<vmem>> -> memref<32x128xf32, #tpu.memory_space<vmem>>
        %dma_start3A_881 = arith.constant 0 : i32
        %dma_start3A_882 = tpu.memref_slice %arg4[%dma_start3A_881, %multiple_of3A_864] : memref<32x1000000xf32, #tpu.memory_space<hbm>> -> memref<32x128xf32, #tpu.memory_space<hbm>>
        tpu.enqueue_dma source(%dma_start3A_882 : memref<32x128xf32, #tpu.memory_space<hbm>>) target(%dma_start3A_880 : memref<32x128xf32, #tpu.memory_space<vmem>>) target_semaphore(%arg19 : memref<!tpu.dma_semaphore, #tpu.memory_space<semaphore_mem>>)
        %dma_start3A_883 = arith.constant 2 : i32
        %dma_start3A_884 = arith.constant 0 : i32
        %dma_start3A_885 = arith.constant 0 : i32
        %dma_start3A_886 = tpu.memref_slice %arg13[%rem3A_552, %dma_start3A_883, %dma_start3A_884, %dma_start3A_885] : memref<3x4x32x128xf32, #tpu.memory_space<vmem>> -> memref<1x1x32x128xf32, #tpu.memory_space<vmem>>
        %dma_start3A_887 = tpu.memref_squeeze %dma_start3A_886 : memref<1x1x32x128xf32, #tpu.memory_space<vmem>> -> memref<32x128xf32, #tpu.memory_space<vmem>>
        %dma_start3A_888 = arith.constant 0 : i32
        %dma_start3A_889 = tpu.memref_slice %arg5[%dma_start3A_888, %multiple_of3A_869] : memref<32x1000000xf32, #tpu.memory_space<hbm>> -> memref<32x128xf32, #tpu.memory_space<hbm>>
        %dma_start3A_890 = arith.constant 0 : i32
        %dma_start3A_891 = arith.constant 0 : i32
        %dma_start3A_892 = tpu.memref_slice %arg13[%rem3A_552, %dma_start3A_883, %dma_start3A_890, %dma_start3A_891] : memref<3x4x32x128xf32, #tpu.memory_space<vmem>> -> memref<1x1x32x128xf32, #tpu.memory_space<vmem>>
        %dma_start3A_893 = tpu.memref_squeeze %dma_start3A_892 : memref<1x1x32x128xf32, #tpu.memory_space<vmem>> -> memref<32x128xf32, #tpu.memory_space<vmem>>
        %dma_start3A_894 = arith.constant 0 : i32
        %dma_start3A_895 = tpu.memref_slice %arg5[%dma_start3A_894, %multiple_of3A_869] : memref<32x1000000xf32, #tpu.memory_space<hbm>> -> memref<32x128xf32, #tpu.memory_space<hbm>>
        tpu.enqueue_dma source(%dma_start3A_895 : memref<32x128xf32, #tpu.memory_space<hbm>>) target(%dma_start3A_893 : memref<32x128xf32, #tpu.memory_space<vmem>>) target_semaphore(%arg20 : memref<!tpu.dma_semaphore, #tpu.memory_space<semaphore_mem>>)
        %slice3A_896 = vector.extract_strided_slice %gather3A_770 {offsets = [12], sizes = [1], strides = [1]} : vector<16xi32> to vector<1xi32>
        %squeeze3A_897 = vector.extract %slice3A_896[0] : i32 from vector<1xi32>
        %slice3A_898 = vector.extract_strided_slice %gather3A_775 {offsets = [12], sizes = [1], strides = [1]} : vector<16xi32> to vector<1xi32>
        %squeeze3A_899 = vector.extract %slice3A_898[0] : i32 from vector<1xi32>
        %shift_right_arithmetic3A_900 = arith.constant 7 : i32
        %shift_right_arithmetic3A_901 = arith.shrsi %squeeze3A_897, %shift_right_arithmetic3A_900 : i32
        %mul3A_902 = arith.constant 128 : i32
        %mul3A_903 = arith.muli %shift_right_arithmetic3A_901, %mul3A_902 : i32
        %multiple_of3A_904 = tpu.assume_multiple %mul3A_903, 128 : i32
        %shift_right_arithmetic3A_905 = arith.constant 7 : i32
        %shift_right_arithmetic3A_906 = arith.shrsi %squeeze3A_899, %shift_right_arithmetic3A_905 : i32
        %mul3A_907 = arith.constant 128 : i32
        %mul3A_908 = arith.muli %shift_right_arithmetic3A_906, %mul3A_907 : i32
        %multiple_of3A_909 = tpu.assume_multiple %mul3A_908, 128 : i32
        %dma_start3A_910 = arith.constant 3 : i32
        %dma_start3A_911 = arith.constant 0 : i32
        %dma_start3A_912 = arith.constant 0 : i32
        %dma_start3A_913 = tpu.memref_slice %arg12[%rem3A_552, %dma_start3A_910, %dma_start3A_911, %dma_start3A_912] : memref<3x4x32x128xf32, #tpu.memory_space<vmem>> -> memref<1x1x32x128xf32, #tpu.memory_space<vmem>>
        %dma_start3A_914 = tpu.memref_squeeze %dma_start3A_913 : memref<1x1x32x128xf32, #tpu.memory_space<vmem>> -> memref<32x128xf32, #tpu.memory_space<vmem>>
        %dma_start3A_915 = arith.constant 0 : i32
        %dma_start3A_916 = tpu.memref_slice %arg4[%dma_start3A_915, %multiple_of3A_904] : memref<32x1000000xf32, #tpu.memory_space<hbm>> -> memref<32x128xf32, #tpu.memory_space<hbm>>
        %dma_start3A_917 = arith.constant 0 : i32
        %dma_start3A_918 = arith.constant 0 : i32
        %dma_start3A_919 = tpu.memref_slice %arg12[%rem3A_552, %dma_start3A_910, %dma_start3A_917, %dma_start3A_918] : memref<3x4x32x128xf32, #tpu.memory_space<vmem>> -> memref<1x1x32x128xf32, #tpu.memory_space<vmem>>
        %dma_start3A_920 = tpu.memref_squeeze %dma_start3A_919 : memref<1x1x32x128xf32, #tpu.memory_space<vmem>> -> memref<32x128xf32, #tpu.memory_space<vmem>>
        %dma_start3A_921 = arith.constant 0 : i32
        %dma_start3A_922 = tpu.memref_slice %arg4[%dma_start3A_921, %multiple_of3A_904] : memref<32x1000000xf32, #tpu.memory_space<hbm>> -> memref<32x128xf32, #tpu.memory_space<hbm>>
        tpu.enqueue_dma source(%dma_start3A_922 : memref<32x128xf32, #tpu.memory_space<hbm>>) target(%dma_start3A_920 : memref<32x128xf32, #tpu.memory_space<vmem>>) target_semaphore(%arg19 : memref<!tpu.dma_semaphore, #tpu.memory_space<semaphore_mem>>)
        %dma_start3A_923 = arith.constant 3 : i32
        %dma_start3A_924 = arith.constant 0 : i32
        %dma_start3A_925 = arith.constant 0 : i32
        %dma_start3A_926 = tpu.memref_slice %arg13[%rem3A_552, %dma_start3A_923, %dma_start3A_924, %dma_start3A_925] : memref<3x4x32x128xf32, #tpu.memory_space<vmem>> -> memref<1x1x32x128xf32, #tpu.memory_space<vmem>>
        %dma_start3A_927 = tpu.memref_squeeze %dma_start3A_926 : memref<1x1x32x128xf32, #tpu.memory_space<vmem>> -> memref<32x128xf32, #tpu.memory_space<vmem>>
        %dma_start3A_928 = arith.constant 0 : i32
        %dma_start3A_929 = tpu.memref_slice %arg5[%dma_start3A_928, %multiple_of3A_909] : memref<32x1000000xf32, #tpu.memory_space<hbm>> -> memref<32x128xf32, #tpu.memory_space<hbm>>
        %dma_start3A_930 = arith.constant 0 : i32
        %dma_start3A_931 = arith.constant 0 : i32
        %dma_start3A_932 = tpu.memref_slice %arg13[%rem3A_552, %dma_start3A_923, %dma_start3A_930, %dma_start3A_931] : memref<3x4x32x128xf32, #tpu.memory_space<vmem>> -> memref<1x1x32x128xf32, #tpu.memory_space<vmem>>
        %dma_start3A_933 = tpu.memref_squeeze %dma_start3A_932 : memref<1x1x32x128xf32, #tpu.memory_space<vmem>> -> memref<32x128xf32, #tpu.memory_space<vmem>>
        %dma_start3A_934 = arith.constant 0 : i32
        %dma_start3A_935 = tpu.memref_slice %arg5[%dma_start3A_934, %multiple_of3A_909] : memref<32x1000000xf32, #tpu.memory_space<hbm>> -> memref<32x128xf32, #tpu.memory_space<hbm>>
        tpu.enqueue_dma source(%dma_start3A_935 : memref<32x128xf32, #tpu.memory_space<hbm>>) target(%dma_start3A_933 : memref<32x128xf32, #tpu.memory_space<vmem>>) target_semaphore(%arg20 : memref<!tpu.dma_semaphore, #tpu.memory_space<semaphore_mem>>)
      } else {
      }
      %and3A_757 = arith.constant 3 : i32
      %and3A_758 = arith.andi %scan3A_550, %and3A_757 : i32
      %eq3A_759 = arith.constant 3 : i32
      %eq3A_760 = arith.cmpi eq, %and3A_758, %eq3A_759 : i32
      %broadcast_in_dim3A_761 = arith.constant 0.000000e+00 : f32
      %broadcast_in_dim3A_762 = vector.broadcast %broadcast_in_dim3A_761 : f32 to vector<16xf32>
      %select_n3A_763 = arith.select %eq3A_760, %broadcast_in_dim3A_762, %select_n3A_747 : vector<16xf32>
      scf.yield %select_n3A_763 : vector<16xf32>
    }
    %scan3A_537 = arith.constant 128 : i32
    %dma_wait3A = arith.constant 0 : i32
    %dma_wait3A_538 = tpu.memref_slice %arg6[%dma_wait3A] : memref<1000000xf32, #tpu.memory_space<hbm>> -> memref<1000000xf32, #tpu.memory_space<hbm>>
    tpu.wait_indirect_dma semaphore(%arg21 : memref<!tpu.dma_semaphore, #tpu.memory_space<semaphore_mem>>) src(%dma_wait3A_538 : memref<1000000xf32, #tpu.memory_space<hbm>>) dst(%arg14 : memref<512xf32, #tpu.memory_space<vmem>>)
    %dma_wait3A_539 = arith.constant 0 : i32
    %dma_wait3A_540 = tpu.memref_slice %arg7[%dma_wait3A_539] : memref<1000000xf32, #tpu.memory_space<hbm>> -> memref<1000000xf32, #tpu.memory_space<hbm>>
    tpu.wait_indirect_dma semaphore(%arg22 : memref<!tpu.dma_semaphore, #tpu.memory_space<semaphore_mem>>) src(%dma_wait3A_540 : memref<1000000xf32, #tpu.memory_space<hbm>>) dst(%arg15 : memref<512xf32, #tpu.memory_space<vmem>>)
    %get3A = arith.constant 0 : index
    %get3A_541 = tpu.vector_load %arg16[%get3A] {strides = array<i32>} : memref<16xf32, #tpu.memory_space<vmem>>, vector<16xf32>,
    %slice3A_542 = vector.extract_strided_slice %get3A_541 {offsets = [0], sizes = [1], strides = [1]} : vector<16xf32> to vector<1xf32>
    %squeeze3A_543 = vector.extract %slice3A_542[0] : f32 from vector<1xf32>
    %scan3A_544 = arith.constant 0 : i32
    %scan3A_545 = arith.constant 0 : i32
    %scan3A_546 = arith.constant 32 : i32
    %scan3A_547 = arith.addi %scan3A_545, %scan3A_546 : i32
    %scan3A_548 = arith.constant 1 : i32
    scf.for %scan3A_550 = %scan3A_545 to %scan3A_547 step %scan3A_548  : i32 {
      %mul3A_551 = arith.constant 16 : i32
      %mul3A_552 = arith.muli %scan3A_550, %mul3A_551 : i32
      %get3A_553 = arith.index_cast %mul3A_552 : i32 to index
      %get3A_554 = tpu.vector_load %arg17[%get3A_553] {strides = array<i32>} : memref<512xf32, #tpu.memory_space<vmem>>, vector<16xf32>,
      %get3A_555 = arith.index_cast %mul3A_552 : i32 to index
      %get3A_556 = tpu.vector_load %arg14[%get3A_555] {strides = array<i32>} : memref<512xf32, #tpu.memory_space<vmem>>, vector<16xf32>,
      %add3A_557 = arith.addf %get3A_554, %get3A_556 : vector<16xf32>
      %get3A_558 = arith.index_cast %mul3A_552 : i32 to index
      %get3A_559 = tpu.vector_load %arg15[%get3A_558] {strides = array<i32>} : memref<512xf32, #tpu.memory_space<vmem>>, vector<16xf32>,
      %add3A_560 = arith.addf %add3A_557, %get3A_559 : vector<16xf32>
      %add3A_561 = vector.broadcast %squeeze3A_543 : f32 to vector<16xf32>
      %add3A_562 = arith.addf %add3A_560, %add3A_561 : vector<16xf32>
      %swap3A = arith.index_cast %mul3A_552 : i32 to index
      %swap3A_563 = tpu.vector_load %arg18[%swap3A] {strides = array<i32>} : memref<512xf32, #tpu.memory_space<vmem>>, vector<16xf32>,
      tpu.vector_store %arg18[%swap3A], %add3A_562 {strides = array<i32>} : memref<512xf32, #tpu.memory_space<vmem>>, vector<16xf32>,
    }
    %scan3A_549 = arith.constant 32 : i32
    "tpu.region"() ({
      %run_scoped3A = tpu.sem_alloc : memref<!tpu.dma_semaphore, #tpu.memory_space<semaphore_mem>>
      %dma_start3A_550 = tpu.memref_slice %arg9[%mul3A_2] : memref<16384xf32, #tpu.memory_space<hbm>> -> memref<512xf32, #tpu.memory_space<hbm>>
      %dma_start3A_551 = tpu.memref_slice %arg9[%mul3A_2] : memref<16384xf32, #tpu.memory_space<hbm>> -> memref<512xf32, #tpu.memory_space<hbm>>
      tpu.enqueue_dma source(%arg18 : memref<512xf32, #tpu.memory_space<vmem>>) target(%dma_start3A_551 : memref<512xf32, #tpu.memory_space<hbm>>) target_semaphore(%run_scoped3A : memref<!tpu.dma_semaphore, #tpu.memory_space<semaphore_mem>>)
      %dma_wait3A_552 = tpu.memref_slice %arg9[%mul3A_2] : memref<16384xf32, #tpu.memory_space<hbm>> -> memref<512xf32, #tpu.memory_space<hbm>>
      %dma_wait3A_553 = tpu.memref_slice %arg9[%mul3A_2] : memref<16384xf32, #tpu.memory_space<hbm>> -> memref<512xf32, #tpu.memory_space<hbm>>
      tpu.wait_dma2 semaphore(%run_scoped3A : memref<!tpu.dma_semaphore, #tpu.memory_space<semaphore_mem>>) src(%arg18 : memref<512xf32, #tpu.memory_space<vmem>>) dst(%dma_wait3A_553 : memref<512xf32, #tpu.memory_space<hbm>>)
      tpu.yield
    }) : () -> ()
    return
  }
}

</mosaic_0001>

<sc_bundles>
// kernel: _mf.3.cloned.1.call-start
scs
__scs_entry_jumppad:
0x0: {  	(pc) =	sbr.rel $0x88, $3  }
0x1: {  	(tag) =	ssettag $0x0;
	lr =	simm.s32 $0x1  }
0x2: {  	[smem:$0x3F9A] =	sst lr;
	_ =	strace $0xD0000000  }
0x3: {  	_ = 	snop  }
0x4: {  	_ = 	snop  }
0x5: {  	_ = 	snop  }
0x6: {  	_ = 	snop  }
0x7: {  	_ = 	snop  }
__scs_overlays_trampoline_lowered:
0x8: {  	[smem:$0x3FA9] =	sst s0  }
0x9: {  	[smem:$0x3FAA] =	sst s1  }
0xa: {  	[smem:$0x3FAB] =	sst s2  }
0xb: {  	[smem:$0x3FAC] =	sst s3  }
0xc: {  	[smem:$0x3FAD] =	sst s4  }
0xd: {  	[smem:$0x3FAE] =	sst s5  }
0xe: {  	[smem:$0x3FAF] =	sst s6  }
0xf: {  	[smem:$0x3FB0] =	sst s7  }
0x10: {  	[smem:$0x3FB1] =	sst s8  }
0x11: {  	[smem:$0x3FB2] =	sst s9;
	s0 =	simm.s32 @!p0 $0x0  }
0x12: {  	s1 =	sld [smem:$0x3F98];
	s0 =	simm.s32 @p0 $0x1  }
0x13: {  	[smem:$0x3FB3] =	sst s0;
	s0 =	simm.s32 @!p1 $0x0  }
0x14: {  	s2 =	sld [smem:$0x3F97];
	s0 =	simm.s32 @p1 $0x1  }
0x15: {  	[smem:$0x3FB4] =	sst s0;
	s0 =	simm.s32 @!p2 $0x0  }
0x16: {  	s3 =	sld [smem:$0x3FDB];
	s0 =	simm.s32 @p2 $0x1  }
0x17: {  	s4 =	simm.s32 $0x1BF5;
	[smem:$0x3FB6] =	sst s0  }
0x18: {  	s0 =	sld [smem:$0x3F99];
	_ =	swait.ge [sflag:s4], $0x0  }
0x19: {  	s7 =	sld [smem:$0x3F9A]  }
0x1a: {  	s8 =	sadd.s32 $0xFFFFE003, lr  }
0x1b: {  	s9 =	sadd.s32 $0xFFFFFEF7, lr;
	s5 =	simm.s32 $0xFFFFFFFF;
	p2 =	slt.u32 s8, $0xFFFFF086  }
0x1c: {  	p1 =	slt.u32 s9, $0xF7A;
	s5 =	simm.s32 @!p2 $0x0  }
0x1d: {  	s5 =	simm.s32 @p1 $0x1;
	p0 =	seq.s32 s7, s2  }
0x1e: {  	s7 =	smul.u32 @!p0 $0xF7A, s2;
	p2 =	seq.s32 @!p0 s5, $0x0  }
0x1f: {  	s9 =	smul.u32 $0xF7A, s1;
	s8 =	simm.s32 @!p0 $0x1BF5;
	p2 =	por !p2, p0  }
0x20: {  	[sflag:s8] =	ssyncset.s32 @!p0 $0xFFFFF086;
	s6 =	sadd.s32 @!p0 s3, s7;
	s7 =	simm.s32 @!p0 $0x108  }
0x21: {  	s3 =	sadd.s32 s3, s9;
	s6 =	sadd.s32 @!p0 $0x88, s6;
	s7 =	simm.s32 @p2 $0x1082  }
0x22: {  	[simem:s7], [sflag:s8] =	dma.local @!p0 [hbm:s6], $0xF7A  }
0x23: {  	s9 =	sor.u32 $0xD0000000, s2;
	s6 =	simm.s32 $0x108;
	_ =	swait.ge @!p0 [sflag:s8], $0x0  }
0x24: {  	s3 =	sadd.s32 $0x88, s3;
	s6 =	simm.s32 @!p1 $0x1082;
	[sflag:s4] =	ssyncset.s32 $0xFFFFF086  }
0x25: {  	[simem:s6], [sflag:s4] =	dma.local [hbm:s3], $0xF7A  }
0x26: {  	[smem:$0x3F9A] =	sst s1;
	(tag) =	ssettag s2;
	_ =	strace s9  }
0x27: {  	s1 =	sld [smem:$0x3FAA]  }
0x28: {  	s2 =	sld [smem:$0x3FAB]  }
0x29: {  	s4 =	sld [smem:$0x3FAD]  }
0x2a: {  	p0 =	seq.s32 s5, $0x0;
	s5 =	sld [smem:$0x3FAE]  }
0x2b: {  	s6 =	sld [smem:$0x3FAF]  }
0x2c: {  	s7 =	sld [smem:$0x3FB0]  }
0x2d: {  	s3 =	simm.s32 $0x108;
	s8 =	sld [smem:$0x3FB1]  }
0x2e: {  	s3 =	simm.s32 @!p0 $0x1082;
	s9 =	sld [smem:$0x3FB2]  }
0x2f: {  	lr =	sadd.s32 s0, s3;
	s0 =	sld [smem:$0x3FA9]  }
0x30: {  	s3 =	sld [smem:$0x3FAC]  }
0x31: {  	[smem:$0x3FB5] =	sst s10  }
0x32: {  	s10 =	sld [smem:$0x3FB3];
	_ =	sdelay $0x3  }
0x33: {  	p0 =	seq.s32 s10, $0x1;
	s10 =	sld [smem:$0x3FB5];
	_ =	sdelay $0x3  }
0x34: {  	[smem:$0x3FB5] =	sst s10  }
0x35: {  	s10 =	sld [smem:$0x3FB4];
	_ =	sdelay $0x3  }
0x36: {  	p1 =	seq.s32 s10, $0x1;
	s10 =	sld [smem:$0x3FB5];
	_ =	sdelay $0x3  }
0x37: {  	[smem:$0x3FB5] =	sst s10  }
0x38: {  	s10 =	sld [smem:$0x3FB6]  }
0x39: {  	_ = 	snop;
	(pc) =	sbr.ind lr, $3  }
0x3a: {  	_ = 	snop  }
0x3b: {  	_ = 	snop  }
0x3c: {  	p2 =	seq.s32 s10, $0x1;
	s10 =	sld [smem:$0x3FB5]  }
0x3d: {  	_ =	shalt  }
0x3e: {  	_ =	shalt  }
0x3f: {  	_ =	shalt  }
0x40: {  	_ =	shalt  }
0x41: {  	_ =	shalt  }
0x42: {  	_ =	shalt  }
0x43: {  	_ =	shalt  }
0x44: {  	_ =	shalt  }
0x45: {  	_ =	shalt  }
0x46: {  	_ =	shalt  }
0x47: {  	_ =	shalt  }
0x48: {  	_ =	shalt  }
0x49: {  	_ =	shalt  }
0x4a: {  	_ =	shalt  }
0x4b: {  	_ =	shalt  }
0x4c: {  	_ =	shalt  }
0x4d: {  	_ =	shalt  }
0x4e: {  	_ =	shalt  }
0x4f: {  	_ =	shalt  }
0x50: {  	_ =	shalt  }
0x51: {  	_ =	shalt  }
0x52: {  	_ =	shalt  }
0x53: {  	_ =	shalt  }
0x54: {  	_ =	shalt  }
0x55: {  	_ =	shalt  }
0x56: {  	_ =	shalt  }
0x57: {  	_ =	shalt  }
0x58: {  	_ =	shalt  }
0x59: {  	_ =	shalt  }
0x5a: {  	_ =	shalt  }
0x5b: {  	_ =	shalt  }
0x5c: {  	_ =	shalt  }
0x5d: {  	_ =	shalt  }
0x5e: {  	_ =	shalt  }
0x5f: {  	_ =	shalt  }
0x60: {  	_ =	shalt  }
0x61: {  	_ =	shalt  }
0x62: {  	_ =	shalt  }
0x63: {  	_ =	shalt  }
0x64: {  	_ =	shalt  }
0x65: {  	_ =	shalt  }
0x66: {  	_ =	shalt  }
0x67: {  	_ =	shalt  }
0x68: {  	_ =	shalt  }
0x69: {  	_ =	shalt  }
0x6a: {  	_ =	shalt  }
0x6b: {  	_ =	shalt  }
0x6c: {  	_ =	shalt  }
0x6d: {  	_ =	shalt  }
0x6e: {  	_ =	shalt  }
0x6f: {  	_ =	shalt  }
0x70: {  	_ =	shalt  }
0x71: {  	_ =	shalt  }
0x72: {  	_ =	shalt  }
0x73: {  	_ =	shalt  }
0x74: {  	_ =	shalt  }
0x75: {  	_ =	shalt  }
0x76: {  	_ =	shalt  }
0x77: {  	_ =	shalt  }
0x78: {  	_ =	shalt  }
0x79: {  	_ =	shalt  }
0x7a: {  	_ =	shalt  }
0x7b: {  	_ =	shalt  }
0x7c: {  	_ =	shalt  }
0x7d: {  	_ =	shalt  }
0x7e: {  	_ =	shalt  }
0x7f: {  	_ =	shalt  }
0x80: {  	_ =	shalt  }
0x81: {  	_ =	shalt  }
0x82: {  	_ =	shalt  }
0x83: {  	_ =	shalt  }
0x84: {  	_ =	shalt  }
0x85: {  	_ =	shalt  }
0x86: {  	_ =	shalt  }
0x87: {  	_ =	shalt  }
.Lfunc_end0:
.L_simem_size_0:
called_computation_lowered:
.L_overlay_start_0:
0x88: {  	s2 =	sld [smem:$0x3FD9]  }
0x89: {  	s3 =	sld [smem:$0x3FFE];
	_ =	sdelay $0x1  }
0x8a: {  	s1 =	srdreg.scid  }
0x8b: {  	s0 =	sand.u32 $0x1, s1  }
0x8c: {  	s18 =	sshll.u32 s0, $0xA;
	s2 =	sadd.s32 s3, s2  }
0x8d: {  	s2 =	sadd.s32 s2, s18  }
0x8e: {  	[smem:$0x3FC1] =	sst s2  }
0x8f: {  	_ = 	snop  }
0x90: {  	s2 =	sld [smem:$0x3FC9]  }
0x91: {  	s19 =	sld [smem:$0x3FC8]  }
0x92: {  	s4 =	sld [smem:$0x3FC7]  }
0x93: {  	s5 =	sld [smem:$0x3FC6]  }
0x94: {  	s6 =	sld [smem:$0x3FC5]  }
0x95: {  	s7 =	sld [smem:$0x3FC4]  }
0x96: {  	s8 =	sld [smem:$0x3FC3]  }
0x97: {  	s9 =	sld [smem:$0x3FD0];
	(tm) =	ssettm $0x1  }
0x98: {  	s10 =	sld [smem:$0x3FFB];
	_ =	sdelay $0x3  }
0x99: {  	_ =	strace s10  }
0x9a: {  	s10 =	sld [smem:$0x3FFC];
	_ =	sdelay $0x3  }
0x9b: {  	_ =	strace s10  }
0x9c: {  	s10 =	sld [smem:$0x3FFD];
	_ =	sdelay $0x3  }
0x9d: {  	_ =	strace s10  }
0x9e: {  	_ =	strace $0x8FFFFFFF  }
0x9f: {  	s20 =	sld [smem:$0x3FDB];
	_ =	sdelay $0x1  }
0xa0: {  	s11 =	simm.s32 $_scs_section_size  }
0xa1: {  	s12 =	simm.s32 $_size__tile_overlayer_lowered;
	s13 =	simm.s32 $_tile_overlayer_lowered  }
0xa2: {  	s23 =	simm.s32 $0x1BFF;
	s22 =	sshll.u32 s13, $0x1;
	s10 =	sadd.s32 s11, s20  }
0xa3: {  	s14 =	simm.s32 $0x0;
	s21 =	sshll.u32 s12, $0x1;
	s12 =	sadd.s32 s22, s10  }
0xa4: {  	[timem:s14], [sflag:s23] =	dma.local [hbm:s12], s21  }
0xa5: {  	_ =	swait.ge [sflag:s23], s21  }
0xa6: {  	s11 =	ssub.s32 $0x0, s21;
	[sflag:s23] =	ssyncset.done $0x0  }
0xa7: {  	[sflag:s23] =	ssyncadd.s32 s11;
	_ =	sdelay $0x1  }
0xa8: {  	s24 =	simm.s32 $0x1B8B  }
0xa9: {  	_ =	swait.ge [sflag:s24], $0x1  }
0xaa: {  	[sflag:s24] =	ssyncset.done $0x0  }
0xab: {  	s25 =	simm.s32 $0x1B8E;
	[sflag:s24] =	ssyncadd.s32 $0xFFFFFFFF  }
0xac: {  	s26 =	simm.s32 $execute0_lowered;
	[smem:$0x3FD2] =	sst s25  }
0xad: {  	s11 =	sshll.u32 s26, $0x1;
	_ =	strace $0x80000046;
	[dreg:$0x1] =	wrdreg $0xFFFFFFFF  }
0xae: {  	s28 =	simm.s32 $_size_execute0_lowered;
	s10 =	sadd.s32 s10, s11;
	[dreg:$0x0] =	wrdreg $0x0  }
0xaf: {  	s11 =	sshll.u32 s28, $0x1;
	[dreg:$0x2] =	wrdreg s10  }
0xb0: {  	[dreg:$0x3] =	wrdreg s11  }
0xb1: {  	[dreg:$0x4] =	wrdreg $0xC0  }
0xb2: {  	_ =	task [dreg:s14], $0x5FFFF  }
0xb3: {  	[dreg:$0x1] =	wrdreg $0xFFFFFFFF  }
0xb4: {  	[dreg:$0x0] =	wrdreg $0x60  }
0xb5: {  	[dreg:$0x2] =	wrdreg s2  }
0xb6: {  	[dreg:$0x3] =	wrdreg s19  }
0xb7: {  	[dreg:$0x4] =	wrdreg s4  }
0xb8: {  	[dreg:$0x5] =	wrdreg s5  }
0xb9: {  	[dreg:$0x6] =	wrdreg s6  }
0xba: {  	[dreg:$0x7] =	wrdreg s7  }
0xbb: {  	[dreg:$0x8] =	wrdreg s8  }
0xbc: {  	[dreg:$0x9] =	wrdreg s9  }
0xbd: {  	[dreg:$0xa] =	wrdreg $0x9  }
0xbe: {  	_ =	task.clear_ibuf [dreg:s14], $0xBFFFF;
	_ =	strace $0x90000046  }
0xbf: {  	s29 =	simm.s32 $0x9;
	_ =	strace $0x80000048  }
0xc0: {  	_ =	swait.ge [sflag:s29], $0x1  }
0xc1: {  	[sflag:s29] =	ssyncadd.s32 $0xFFFFFFFF  }
0xc2: {  	_ =	strace $0x90000048  }
0xc3: {  	_ =	sfence  }
0xc4: {  	s30 =	sld [smem:$0x0];
	_ =	sdelay $0x2  }
0xc5: {  	s31 =	sshll.u32 s1, $0xD;
	s1 =	sshrl.u32 s1, $0x2  }
0xc6: {  	s3 =	sand.u32 $0x4000, s31;
	s1 =	sadd.s32 s1, s30  }
0xc7: {  	s0 =	sor.u32 s3, s0;
	s1 =	sshll.u32 s1, $0x11  }
0xc8: {  	s0 =	sor.u32 s1, s0  }
0xc9: {  	s0 =	sadd.s32 $0x8F2B, s0  }
0xca: {  	[sflag:s0] =	ssyncadd.remote.s32 $0x1  }
0xcb: {  	_ =	sfence.sel $0xFFFF  }
0xcc: {  	[dreg:$0x0] =	wrdreg $0xFFFFFFFF;
	(pc) =	sbr.abs _section_cstart, $3  }
0xcd: {  	[dreg:$0x1] =	wrdreg $0xFFFFFFFF  }
0xce: {  	_ =	task.clear_ibuf [dreg:s14], $0x2FFFF;
	_ =	strace $0x9FFFFFFF  }
0xcf: {  	(tm) =	ssettm $0x7FFFFFFF  }
tec
execute0_lowered:
.L_overlay_start_1:
0x0: {  	(tag) =	ssettag $0x1  }
0x1: {  	s0 =	rddreg [dreg:$0x0]  }
0x2: {  	s3 =	rddreg [dreg:$0x1]  }
0x3: {  	s1 =	rddreg [dreg:$0x2]  }
0x4: {  	s2 =	rddreg [dreg:$0x3]  }
0x5: {  	s4 =	rddreg [dreg:$0x7]  }
0x6: {  	s5 =	srdreg.scid;
	s7 =	simm.s32 $0x0;
	s8 =	stileid.u32  }
0x7: {  	s12 =	simm.s32 $0x5;
	s13 =	simm.s32 $0x200;
	s17 =	simm.s32 $0x7A1400  }
0x8: {  	s18 =	simm.s32 $0x400;
	s19 =	simm.s32 $0xC400;
	s23 =	simm.s32 $0x1  }
0x9: {  	v0 =	vlaneseq.u32;
	s24 =	simm.s32 $0x2;
	s25 =	simm.s32 $0x3;
	s26 =	simm.s32 $0x4  }
0xa: {  	s29 =	simm.s32 $0x0;
	s5 =	sand.u32 $0x1, s5;
	s8 =	sshll.u32 s8, $0x7;
	v1 =	vmul.u32 $0x80, v0  }
0xb: {  	[smem:$0x7FF] =	sst s7;
	v2 =	vshrl.u32 v0, $0x2;
	s6 =	ssub.s32 $0x2, s5;
	s5 =	sshll.u32 s5, $0x6  }
0xc: {  	_ =	strace $0x80000047;
	v3 =	vor.u32 $0x4, v2;
	v4 =	vor.u32 $0x8, v2;
	s9 =	sshrl.u32 s6, $0x1;
	s5 =	sor.u32 s5, s8;
	v5 =	vor.u32 $0x800, v1  }
0xd: {  	v6 =	vor.u32 $0x1000, v1;
	v7 =	vor.u32 $0x1800, v1;
	v8 =	vor.u32 $0x2000, v1;
	s6 =	ssub.s32 s6, s9;
	s0 =	sadd.s32 s0, s5;
	s9 =	sadd.s32 s3, s5  }
0xe: {  	v9 =	vor.u32 $0x2800, v1;
	v10 =	vor.u32 $0x3000, v1;
	v11 =	vor.u32 $0x3800, v1;
	s10 =	sadd.s32 s4, s5;
	[dreg:$0x9] =	wrdreg s0;
	s11 =	smax.u32 s6, $0x1  }
.LBB2_1:
0xf: {  	s0 =	rddreg [dreg:$0x9]  }
0x10: {  	[tilespmem:s7], [sflag:$0x5] =	stream.linear.gather [hbm4b:s0+s7], $0x200, $0x38;
	[tilespmem:$0x18C80] =	vst v63  }
0x11: {  	_ =	swait.ge [sflag:s12], $0x200  }
0x12: {  	[sflag:s12] =	ssyncset.done $0x0  }
0x13: {  	[sflag:s12] =	ssyncadd.s32 $0xFFFFFE00  }
0x14: {  	[tilespmem:s13], [sflag:$0x5] =	stream.linear.gather [hbm4b:s9+s7], $0x200, $0x38;
	[tilespmem:$0x18C80] =	vst v63  }
0x15: {  	_ =	swait.ge [sflag:s12], $0x200  }
0x16: {  	[sflag:s12] =	ssyncset.done $0x0  }
0x17: {  	[sflag:s12] =	ssyncadd.s32 $0xFFFFFE00  }
0x18: {  	s3 =	simm.s32 $0x18400;
	s21 =	rddreg [dreg:$0x4]  }
0x19: {  	[tilespmem:s3], [sflag:$0x3] =	stream.indirect.gather [hbm4b:s21+s13], $0x1, s7, s13, $0xb8;
	[tilespmem:$0x18C80] =	vst v63  }
0x1a: {  	s28 =	simm.s32 $0x18600;
	s22 =	rddreg [dreg:$0x5]  }
0x1b: {  	[tilespmem:s28], [sflag:$0x4] =	stream.indirect.gather [hbm4b:s22+s13], $0x1, s13, s13, $0xb8;
	[tilespmem:$0x18C80] =	vst v63  }
0x1c: {  	s4 =	simm.s32 $0x18800;
	s3 =	rddreg [dreg:$0x6]  }
0x1d: {  	[tilespmem:s4], [sflag:$0x5] =	stream.linear.gather [hbm4b:s3+s7], $0x1, $0x38;
	[tilespmem:$0x18C80] =	vst v63  }
0x1e: {  	_ =	swait.ge [sflag:s12], $0x1  }
0x1f: {  	[sflag:s12] =	ssyncset.done $0x0  }
0x20: {  	[sflag:s12] =	ssyncadd.s32 $0xFFFFFFFF  }
0x21: {  	v12 =	vld.idx.msk [tilespmem:v2+s7+$0x0], $0xffff;
	_ =	sdelay $0x1  }
0x22: {  	v13 =	vld.idx.msk [tilespmem:v2+s13+$0x0], $0xffff;
	_ =	sdelay $0x2  }
0x23: {  	(v2sf) =	vpush v12, $0x0;
	_ =	sdelay $0x1  }
0x24: {  	(v2sf) =	vpush v13, $0x0;
	_ =	sdelay $0x2  }
0x25: {  	(v2sf) =	vpush v12, $0x4;
	_ =	sdelay $0x2  }
0x26: {  	(v2sf) =	vpush v13, $0x4;
	_ =	sdelay $0x2  }
0x27: {  	(v2sf) =	vpush v12, $0x8;
	_ =	sdelay $0x2  }
0x28: {  	(v2sf) =	vpush v13, $0x8  }
0x29: {  	s5 =	spop (v2sf)  }
0x2a: {  	s0 =	sand.u32 $0xFFFFF80, s5  }
0x2b: {  	(v2sf) =	vpush v12, $0xC;
	s6 =	spop (v2sf);
	s0 =	sadd.s32 s1, s0  }
0x2c: {  	[tilespmem:s18], [sflag:$0x1] =	stream.strided.gather [hbm4b:s0+s18], $0x1000, s17, s18, $0x38;
	[tilespmem:$0x18C80] =	vst v63  }
0x2d: {  	s0 =	sand.u32 $0xFFFFF80, s6  }
0x2e: {  	(v2sf) =	vpush v13, $0xC;
	s8 =	spop (v2sf);
	s0 =	sadd.s32 s2, s0  }
0x2f: {  	[tilespmem:s19], [sflag:$0x2] =	stream.strided.gather [hbm4b:s0+s18], $0x1000, s17, s18, $0x38;
	[tilespmem:$0x18C80] =	vst v63  }
0x30: {  	s0 =	sand.u32 $0xFFFFF80, s8  }
0x31: {  	s14 =	simm.s32 $0x1400;
	s15 =	spop (v2sf);
	s0 =	sadd.s32 s1, s0  }
0x32: {  	[tilespmem:s14], [sflag:$0x1] =	stream.strided.gather [hbm4b:s0+s18], $0x1000, s17, s18, $0x38;
	[tilespmem:$0x18C80] =	vst v63  }
0x33: {  	s0 =	sand.u32 $0xFFFFF80, s15  }
0x34: {  	s16 =	simm.s32 $0xD400;
	s20 =	spop (v2sf);
	s0 =	sadd.s32 s2, s0  }
0x35: {  	[tilespmem:s16], [sflag:$0x2] =	stream.strided.gather [hbm4b:s0+s18], $0x1000, s17, s18, $0x38;
	[tilespmem:$0x18C80] =	vst v63  }
0x36: {  	s0 =	sand.u32 $0xFFFFF80, s20  }
0x37: {  	s21 =	simm.s32 $0x2400;
	s22 =	spop (v2sf);
	s0 =	sadd.s32 s1, s0  }
0x38: {  	[tilespmem:s21], [sflag:$0x1] =	stream.strided.gather [hbm4b:s0+s18], $0x1000, s17, s18, $0x38;
	[tilespmem:$0x18C80] =	vst v63  }
0x39: {  	s0 =	sand.u32 $0xFFFFF80, s22  }
0x3a: {  	s28 =	simm.s32 $0xE400;
	s3 =	spop (v2sf);
	s0 =	sadd.s32 s2, s0  }
0x3b: {  	[tilespmem:s28], [sflag:$0x2] =	stream.strided.gather [hbm4b:s0+s18], $0x1000, s17, s18, $0x38;
	[tilespmem:$0x18C80] =	vst v63  }
0x3c: {  	s0 =	sand.u32 $0xFFFFF80, s3  }
0x3d: {  	s4 =	simm.s32 $0x3400;
	s5 =	spop (v2sf);
	s0 =	sadd.s32 s1, s0  }
0x3e: {  	[tilespmem:s4], [sflag:$0x1] =	stream.strided.gather [hbm4b:s0+s18], $0x1000, s17, s18, $0x38;
	[tilespmem:$0x18C80] =	vst v63  }
0x3f: {  	s0 =	sand.u32 $0xFFFFF80, s5  }
0x40: {  	s6 =	simm.s32 $0xF400;
	s0 =	sadd.s32 s2, s0  }
0x41: {  	[tilespmem:s6], [sflag:$0x2] =	stream.strided.gather [hbm4b:s0+s18], $0x1000, s17, s18, $0x38;
	[tilespmem:$0x18C80] =	vst v63  }
0x42: {  	v12 =	vld.idx.msk [tilespmem:v3+s7+$0x0], $0xffff;
	_ =	sdelay $0x1  }
0x43: {  	v13 =	vld.idx.msk [tilespmem:v3+s13+$0x0], $0xffff;
	_ =	sdelay $0x2  }
0x44: {  	(v2sf) =	vpush v12, $0x0;
	_ =	sdelay $0x1  }
0x45: {  	(v2sf) =	vpush v13, $0x0;
	_ =	sdelay $0x1  }
0x46: {  	(v2sf) =	vpush v12, $0x4;
	_ =	sdelay $0x2  }
0x47: {  	(v2sf) =	vpush v13, $0x4;
	_ =	sdelay $0x7  }
0x48: {  	s8 =	spop (v2sf);
	(v2sf) =	vpush v12, $0x8;
	_ =	sdelay $0x1  }
0x49: {  	s15 =	spop (v2sf);
	(v2sf) =	vpush v13, $0x8  }
0x4a: {  	s0 =	sand.u32 $0xFFFFF80, s8  }
0x4b: {  	s14 =	simm.s32 $0x4400;
	s0 =	sadd.s32 s1, s0;
	s20 =	spop (v2sf)  }
0x4c: {  	(v2sf) =	vpush v12, $0xC;
	[tilespmem:s14], [sflag:$0x1] =	stream.strided.gather [hbm4b:s0+s18], $0x1000, s17, s18, $0x38;
	[tilespmem:$0x18C80] =	vst v63  }
0x4d: {  	s0 =	sand.u32 $0xFFFFF80, s15  }
0x4e: {  	s16 =	simm.s32 $0x10400;
	s22 =	spop (v2sf);
	s0 =	sadd.s32 s2, s0  }
0x4f: {  	(v2sf) =	vpush v13, $0xC;
	[tilespmem:s16], [sflag:$0x2] =	stream.strided.gather [hbm4b:s0+s18], $0x1000, s17, s18, $0x38;
	[tilespmem:$0x18C80] =	vst v63  }
0x50: {  	s0 =	sand.u32 $0xFFFFF80, s20  }
0x51: {  	s21 =	simm.s32 $0x5400;
	s0 =	sadd.s32 s1, s0  }
0x52: {  	[tilespmem:s21], [sflag:$0x1] =	stream.strided.gather [hbm4b:s0+s18], $0x1000, s17, s18, $0x38;
	[tilespmem:$0x18C80] =	vst v63  }
0x53: {  	s0 =	sand.u32 $0xFFFFF80, s22  }
0x54: {  	s28 =	simm.s32 $0x11400;
	s0 =	sadd.s32 s2, s0  }
0x55: {  	[tilespmem:s28], [sflag:$0x2] =	stream.strided.gather [hbm4b:s0+s18], $0x1000, s17, s18, $0x38;
	[tilespmem:$0x18C80] =	vst v63  }
0x56: {  	s3 =	spop (v2sf)  }
0x57: {  	s0 =	sand.u32 $0xFFFFF80, s3  }
0x58: {  	s4 =	simm.s32 $0x6400;
	s5 =	spop (v2sf);
	s0 =	sadd.s32 s1, s0  }
0x59: {  	[tilespmem:s4], [sflag:$0x1] =	stream.strided.gather [hbm4b:s0+s18], $0x1000, s17, s18, $0x38;
	[tilespmem:$0x18C80] =	vst v63  }
0x5a: {  	s0 =	sand.u32 $0xFFFFF80, s5  }
0x5b: {  	s6 =	simm.s32 $0x12400;
	s8 =	spop (v2sf);
	s0 =	sadd.s32 s2, s0  }
0x5c: {  	[tilespmem:s6], [sflag:$0x2] =	stream.strided.gather [hbm4b:s0+s18], $0x1000, s17, s18, $0x38;
	[tilespmem:$0x18C80] =	vst v63  }
0x5d: {  	s0 =	sand.u32 $0xFFFFF80, s8  }
0x5e: {  	s14 =	simm.s32 $0x7400;
	s15 =	spop (v2sf);
	s0 =	sadd.s32 s1, s0  }
0x5f: {  	[tilespmem:s14], [sflag:$0x1] =	stream.strided.gather [hbm4b:s0+s18], $0x1000, s17, s18, $0x38;
	[tilespmem:$0x18C80] =	vst v63  }
0x60: {  	s0 =	sand.u32 $0xFFFFF80, s15  }
0x61: {  	s16 =	simm.s32 $0x13400;
	s0 =	sadd.s32 s2, s0  }
0x62: {  	[tilespmem:s16], [sflag:$0x2] =	stream.strided.gather [hbm4b:s0+s18], $0x1000, s17, s18, $0x38;
	[tilespmem:$0x18C80] =	vst v63  }
0x63: {  	v12 =	vld.idx.msk [tilespmem:v4+s7+$0x0], $0xffff;
	_ =	sdelay $0x1  }
0x64: {  	v13 =	vld.idx.msk [tilespmem:v4+s13+$0x0], $0xffff;
	_ =	sdelay $0x2  }
0x65: {  	(v2sf) =	vpush v12, $0x0;
	_ =	sdelay $0x1  }
0x66: {  	(v2sf) =	vpush v13, $0x0;
	_ =	sdelay $0x1  }
0x67: {  	(v2sf) =	vpush v12, $0x4;
	_ =	sdelay $0x2  }
0x68: {  	(v2sf) =	vpush v13, $0x4;
	_ =	sdelay $0x7  }
0x69: {  	s20 =	spop (v2sf);
	(v2sf) =	vpush v12, $0x8;
	_ =	sdelay $0x1  }
0x6a: {  	s22 =	spop (v2sf);
	(v2sf) =	vpush v13, $0x8  }
0x6b: {  	s0 =	sand.u32 $0xFFFFF80, s20  }
0x6c: {  	s21 =	simm.s32 $0x8400;
	s0 =	sadd.s32 s1, s0;
	s3 =	spop (v2sf)  }
0x6d: {  	(v2sf) =	vpush v12, $0xC;
	[tilespmem:s21], [sflag:$0x1] =	stream.strided.gather [hbm4b:s0+s18], $0x1000, s17, s18, $0x38;
	[tilespmem:$0x18C80] =	vst v63  }
0x6e: {  	s0 =	sand.u32 $0xFFFFF80, s22  }
0x6f: {  	s28 =	simm.s32 $0x14400;
	s5 =	spop (v2sf);
	s0 =	sadd.s32 s2, s0  }
0x70: {  	(v2sf) =	vpush v13, $0xC;
	[tilespmem:s28], [sflag:$0x2] =	stream.strided.gather [hbm4b:s0+s18], $0x1000, s17, s18, $0x38;
	[tilespmem:$0x18C80] =	vst v63  }
0x71: {  	s0 =	sand.u32 $0xFFFFF80, s3  }
0x72: {  	s4 =	simm.s32 $0x9400;
	s0 =	sadd.s32 s1, s0  }
0x73: {  	[tilespmem:s4], [sflag:$0x1] =	stream.strided.gather [hbm4b:s0+s18], $0x1000, s17, s18, $0x38;
	[tilespmem:$0x18C80] =	vst v63  }
0x74: {  	s0 =	sand.u32 $0xFFFFF80, s5  }
0x75: {  	s6 =	simm.s32 $0x15400;
	s0 =	sadd.s32 s2, s0  }
0x76: {  	[tilespmem:s6], [sflag:$0x2] =	stream.strided.gather [hbm4b:s0+s18], $0x1000, s17, s18, $0x38;
	[tilespmem:$0x18C80] =	vst v63  }
0x77: {  	s8 =	spop (v2sf)  }
0x78: {  	s0 =	sand.u32 $0xFFFFF80, s8  }
0x79: {  	s14 =	simm.s32 $0xA400;
	s15 =	spop (v2sf);
	s0 =	sadd.s32 s1, s0  }
0x7a: {  	[tilespmem:s14], [sflag:$0x1] =	stream.strided.gather [hbm4b:s0+s18], $0x1000, s17, s18, $0x38;
	[tilespmem:$0x18C80] =	vst v63  }
0x7b: {  	s0 =	sand.u32 $0xFFFFF80, s15  }
0x7c: {  	s16 =	simm.s32 $0x16400;
	s20 =	spop (v2sf);
	s0 =	sadd.s32 s2, s0  }
0x7d: {  	[tilespmem:s16], [sflag:$0x2] =	stream.strided.gather [hbm4b:s0+s18], $0x1000, s17, s18, $0x38;
	[tilespmem:$0x18C80] =	vst v63  }
0x7e: {  	s0 =	sand.u32 $0xFFFFF80, s20  }
0x7f: {  	s21 =	simm.s32 $0xB400;
	s22 =	spop (v2sf);
	s0 =	sadd.s32 s1, s0  }
0x80: {  	[tilespmem:s21], [sflag:$0x1] =	stream.strided.gather [hbm4b:s0+s18], $0x1000, s17, s18, $0x38;
	[tilespmem:$0x18C80] =	vst v63  }
0x81: {  	s0 =	sand.u32 $0xFFFFF80, s22  }
0x82: {  	s28 =	simm.s32 $0x17400;
	s0 =	sadd.s32 s2, s0  }
0x83: {  	[tilespmem:s28], [sflag:$0x2] =	stream.strided.gather [hbm4b:s0+s18], $0x1000, s17, s18, $0x38;
	[tilespmem:$0x18C80] =	vst v63  }
0x84: {  	_ =	swait.ge [sflag:s23], $0x4000  }
0x85: {  	v12 =	vor.u32 s7, v2;
	[sflag:s23] =	ssyncset.done $0x0  }
0x86: {  	[sflag:s23] =	ssyncadd.s32 $0xFFFFC000  }
0x87: {  	_ =	swait.ge [sflag:s24], $0x4000  }
0x88: {  	[sflag:s24] =	ssyncset.done $0x0  }
0x89: {  	[sflag:s24] =	ssyncadd.s32 $0xFFFFC000  }
0x8a: {  	v13 =	vld.idx.msk [tilespmem:v12+s7+$0x0], $0xffff;
	_ =	sdelay $0x1  }
0x8b: {  	v12 =	vld.idx.msk [tilespmem:v12+s13+$0x0], $0xffff;
	_ =	sdelay $0x2  }
0x8c: {  	(v2sf) =	vpush v13, $0x4  }
0x8d: {  	(v2sf) =	vpush v13, $0x0  }
0x8e: {  	(v2sf) =	vpush v12, $0x4;
	_ =	sdelay $0x2  }
0x8f: {  	(v2sf) =	vpush v12, $0x0;
	_ =	sdelay $0x1  }
0x90: {  	s3 =	smul.u32 $0xAB, s7;
	(v2sf) =	vpush v13, $0x8  }
0x91: {  	(v2sf) =	vpush v12, $0x8  }
0x92: {  	s0 =	sshrl.u32 s3, $0x9  }
0x93: {  	s0 =	sand.u32 $0x7F, s0  }
0x94: {  	s0 =	smul.u32 $0x3, s0;
	(v2sf) =	vpush v12, $0xC  }
0x95: {  	(v2sf) =	vpush v13, $0xC  }
0x96: {  	s0 =	ssub.s32 $0x0, s0  }
0x97: {  	s30 =	sand.u32 $0xFF, s0  }
0x98: {  	s0 =	sshll.u32 s30, $0xE;
	s6 =	spop (v2sf)  }
0x99: {  	v12 =	vor.u32 s0, v7;
	s6 =	sand.u32 $0x7F, s6;
	s31 =	spop (v2sf)  }
0x9a: {  	v13 =	vor.u32 s0, v1;
	s31 =	sand.u32 $0x7F, s31;
	v14 =	vor.u32 s6, v12;
	s4 =	spop (v2sf)  }
0x9b: {  	v15 =	vor.u32 s0, v6;
	v16 =	vor.u32 s31, v13;
	s3 =	sand.u32 $0x7F, s4  }
0x9c: {  	v17 =	vor.u32 s3, v15  }
0x9d: {  	s4 =	spop (v2sf);
	v15 =	vor.u32 s6, v15  }
0x9e: {  	s4 =	sand.u32 $0x7F, s4;
	v12 =	vor.u32 s3, v12  }
0x9f: {  	v18 =	vor.u32 s0, v5;
	s5 =	spop (v2sf);
	v13 =	vor.u32 s4, v13;
	v14 =	vld.idx.msk [tilespmem:v14+s18+$0x0], $0xffff  }
0xa0: {  	v19 =	vor.u32 s4, v18;
	s6 =	spop (v2sf);
	v16 =	vld.idx.msk [tilespmem:v16+s18+$0x0], $0xffff  }
0xa1: {  	v20 =	vor.u32 s0, v8;
	v18 =	vor.u32 s31, v18;
	s4 =	sand.u32 $0x7F, s6;
	v17 =	vld.idx.msk [tilespmem:v17+s19+$0x0], $0xffff  }
0xa2: {  	v21 =	vor.u32 s0, v9;
	v22 =	vor.u32 s4, v20;
	v15 =	vld.idx.msk [tilespmem:v15+s18+$0x0], $0xffff  }
0xa3: {  	s3 =	sand.u32 $0x7F, s5;
	s8 =	spop (v2sf);
	v23 =	vor.u32 s4, v21;
	v12 =	vld.idx.msk [tilespmem:v12+s19+$0x0], $0xffff  }
0xa4: {  	v21 =	vor.u32 s3, v21;
	s14 =	spop (v2sf);
	v13 =	vld.idx.msk [tilespmem:v13+s19+$0x0], $0xffff  }
0xa5: {  	v24 =	vor.u32 s0, v11;
	v20 =	vor.u32 s3, v20;
	s15 =	sand.u32 $0x7F, s14;
	v19 =	vld.idx.msk [tilespmem:v19+s19+$0x0], $0xffff  }
0xa6: {  	v25 =	vor.u32 s0, v10;
	v26 =	vor.u32 s15, v24;
	v18 =	vld.idx.msk [tilespmem:v18+s18+$0x0], $0xffff  }
0xa7: {  	s16 =	sand.u32 $0x7F, s8;
	v27 =	vor.u32 s15, v25;
	v22 =	vld.idx.msk [tilespmem:v22+s19+$0x0], $0xffff  }
0xa8: {  	v24 =	vor.u32 s16, v24;
	v23 =	vld.idx.msk [tilespmem:v23+s19+$0x0], $0xffff  }
0xa9: {  	v25 =	vor.u32 s16, v25;
	v21 =	vld.idx.msk [tilespmem:v21+s18+$0x0], $0xffff  }
0xaa: {  	v20 =	vld.idx.msk [tilespmem:v20+s18+$0x0], $0xffff  }
0xab: {  	v26 =	vld.idx.msk [tilespmem:v26+s18+$0x0], $0xffff  }
0xac: {  	v27 =	vld.idx.msk [tilespmem:v27+s18+$0x0], $0xffff  }
0xad: {  	v24 =	vld.idx.msk [tilespmem:v24+s19+$0x0], $0xffff  }
0xae: {  	v25 =	vld.idx.msk [tilespmem:v25+s19+$0x0], $0xffff  }
0xaf: {  	v13 =	vmul.f32 v13, v16;
	v57 =	vmul.f32 v19, v18;
	_ =	sdelay $0x1  }
0xb0: {  	v15 =	vmul.f32 v17, v15;
	v12 =	vmul.f32 v12, v14;
	v13 =	vadd.f32 v57, v13  }
0xb1: {  	v14 =	vmul.f32 v23, v21;
	v58 =	vmul.f32 v22, v20  }
0xb2: {  	v12 =	vadd.f32 v12, v15;
	(xrf2) =	vadd.scan.msk.f32 $0xffff, v13;
	v13 =	vmul.f32 v25, v27;
	v15 =	vmul.f32 v24, v26  }
0xb3: {  	v14 =	vadd.f32 v14, v58  }
0xb4: {  	(xrf2) =	vadd.scan.msk.f32 $0xffff, v12;
	v12 =	vadd.f32 v15, v13  }
0xb5: {  	(xrf2) =	vadd.scan.msk.f32 $0xffff, v14  }
0xb6: {  	(xrf2) =	vadd.scan.msk.f32 $0xffff, v12;
	_ =	sdelay $0x3  }
0xb7: {  	s20 =	sand.u32 $0x3, s7  }
0xb8: {  	s21 =	sshll.u32 s20, $0x2  }
0xb9: {  	p1 =	por $0x0, $0x0;
	v59 =	vmov s21;
	s3 =	sor.u32 $0x2, s21;
	v15 =	vimm.f32 $0.0e+00;
	v14, _, _ =	vpop (xrf2)  }
0xba: {  	v60 =	vmov s3;
	v18 =	vlaneseq.u32 @!p1;
	v14 =	vbroadcast v14, $0xF  }
0xbb: {  	s28 =	sor.u32 $0x1, s21;
	vm0 =	veq.s32 v59, v0;
	vm14 =	veq.s32 v60, v0;
	v18 =	vshrl.u32 @!p1 v18, $0x2;
	v61, _, _ =	vpop (xrf2)  }
0xbc: {  	s3 =	simm.s32 @!p1 $0xC;
	v13 =	vmov s28;
	v17 =	vbroadcast v61, $0xF;
	v14 =	vsel vm0, v14, v15;
	v15, _, _ =	vpop (xrf2)  }
0xbd: {  	s22 =	sshllo.u32 s20, $0x2;
	vm13 =	veq.s32 v13, v0;
	v13 =	vbroadcast v15, $0xF;
	v15 =	vor.u32 @!p1 s3, v18;
	v62, _, _ =	vpop (xrf2)  }
0xbe: {  	v12 =	vmov s22;
	v14 =	vsel vm13, v17, v14;
	v63 =	vbroadcast v62, $0xF  }
0xbf: {  	p0 =	sne.s32 s20, $0x3;
	vm15 =	veq.s32 v12, v0;
	v13 =	vsel vm14, v13, v14  }
0xc0: {  	s3 =	sand.u32 @!p0 $0x1F0, s7;
	v12 =	vsel vm15, v63, v13  }
0xc1: {  	[tilespmem:s3+$0x18880] =	vst @!p0 v12;
	s3 =	simm.s32 @!p1 $0x0  }
0xc2: {  	p6 =	seq.s32 s20, $0x3;
	s0 =	simm.s32 @!p1 $0x200;
	v13 =	vld.idx.msk @!p1 [tilespmem:v15+s3+$0x0], $0xffff  }
0xc3: {  	s31 =	simm.s32 $0x1;
	v12 =	vpsel p6, $0x0, v12;
	v14 =	vld.idx.msk @!p1 [tilespmem:v15+s0+$0x0], $0xffff;
	s0 =	simm.s32 $0x0  }
.LBB2_2:
0xc4: {  	s0 =	sadd.s32 $0x4, s0;
	s6 =	smov.u32 s31;
	s31 =	sadd.s32 $0x1, s31  }
0xc5: {  	p0 =	sne.s32 s31, $0x80;
	_ =	sdelay $0x2  }
0xc6: {  	(v2sf) =	vpush @!p1 v13, $0x0  }
0xc7: {  	(v2sf) =	vpush @!p1 v14, $0x0  }
0xc8: {  	(v2sf) =	vpush @!p1 v13, $0x4;
	_ =	sdelay $0x1  }
0xc9: {  	(v2sf) =	vpush @!p1 v14, $0x4;
	_ =	sdelay $0x1  }
0xca: {  	(v2sf) =	vpush @!p1 v13, $0x8;
	_ =	sdelay $0x1  }
0xcb: {  	(v2sf) =	vpush @!p1 v14, $0x8;
	_ =	sdelay $0x1  }
0xcc: {  	(v2sf) =	vpush @!p1 v13, $0xC;
	_ =	sdelay $0x1  }
0xcd: {  	(v2sf) =	vpush @!p1 v14, $0xC  }
0xce: {  	s3 =	sshll.u32 @!p1 s30, $0xE;
	s4 =	simm.s32 @!p1 $0x400;
	s30 =	simm.s32 @!p1 $0x7A1400  }
0xcf: {  	s5 =	sadd.s32 @!p1 $0xC400, s3;
	s14 =	sor.u32 @!p1 $0x2400, s3;
	s15 =	sadd.s32 @!p1 $0xE400, s3  }
0xd0: {  	s16 =	sor.u32 @!p1 $0x1400, s3;
	s20 =	sadd.s32 @!p1 $0xD400, s3;
	s21 =	spop @!p1 (v2sf)  }
0xd1: {  	s22 =	sor.u32 @!p1 $0x400, s3;
	s21 =	sand.u32 @!p1 $0xFFFFF80, s21;
	s28 =	spop @!p1 (v2sf)  }
0xd2: {  	s21 =	sadd.s32 @!p1 s1, s21;
	s28 =	sand.u32 @!p1 $0xFFFFF80, s28;
	s8 =	spop @!p1 (v2sf)  }
0xd3: {  	[tilespmem:s22], [sflag:$0x1] =	stream.strided.gather @!p1 [hbm4b:s21+s4], $0x1000, s30, s4, $0x38;
	[tilespmem:$0x18C80] =	vst v63  }
0xd4: {  	s21 =	sadd.s32 @!p1 s2, s28;
	s8 =	sand.u32 @!p1 $0xFFFFF80, s8;
	s22 =	spop @!p1 (v2sf)  }
0xd5: {  	[tilespmem:s5], [sflag:$0x2] =	stream.strided.gather @!p1 [hbm4b:s21+s4], $0x1000, s30, s4, $0x38;
	[tilespmem:$0x18C80] =	vst v63  }
0xd6: {  	s5 =	sadd.s32 @!p1 s1, s8;
	s8 =	sand.u32 @!p1 $0xFFFFF80, s22;
	s21 =	spop @!p1 (v2sf)  }
0xd7: {  	[tilespmem:s16], [sflag:$0x1] =	stream.strided.gather @!p1 [hbm4b:s5+s4], $0x1000, s30, s4, $0x38;
	[tilespmem:$0x18C80] =	vst v63  }
0xd8: {  	s5 =	sadd.s32 @!p1 s2, s8;
	s8 =	sand.u32 @!p1 $0xFFFFF80, s21;
	s16 =	spop @!p1 (v2sf)  }
0xd9: {  	[tilespmem:s20], [sflag:$0x2] =	stream.strided.gather @!p1 [hbm4b:s5+s4], $0x1000, s30, s4, $0x38;
	[tilespmem:$0x18C80] =	vst v63  }
0xda: {  	s5 =	sadd.s32 @!p1 s1, s8;
	s8 =	sand.u32 @!p1 $0xFFFFF80, s16;
	s16 =	spop @!p1 (v2sf)  }
0xdb: {  	[tilespmem:s14], [sflag:$0x1] =	stream.strided.gather @!p1 [hbm4b:s5+s4], $0x1000, s30, s4, $0x38;
	[tilespmem:$0x18C80] =	vst v63  }
0xdc: {  	s5 =	sadd.s32 @!p1 s2, s8;
	s8 =	sand.u32 @!p1 $0xFFFFF80, s16;
	s14 =	spop @!p1 (v2sf)  }
0xdd: {  	[tilespmem:s15], [sflag:$0x2] =	stream.strided.gather @!p1 [hbm4b:s5+s4], $0x1000, s30, s4, $0x38;
	[tilespmem:$0x18C80] =	vst v63  }
0xde: {  	s8 =	sadd.s32 @!p1 s1, s8;
	s5 =	sor.u32 @!p1 $0x3400, s3;
	s14 =	sand.u32 @!p1 $0xFFFFF80, s14  }
0xdf: {  	[tilespmem:s5], [sflag:$0x1] =	stream.strided.gather @!p1 [hbm4b:s8+s4], $0x1000, s30, s4, $0x38;
	[tilespmem:$0x18C80] =	vst v63  }
0xe0: {  	s3 =	sadd.s32 @!p1 $0xF400, s3;
	s5 =	sadd.s32 @!p1 s2, s14  }
0xe1: {  	[tilespmem:s3], [sflag:$0x2] =	stream.strided.gather @!p1 [hbm4b:s5+s4], $0x1000, s30, s4, $0x38;
	[tilespmem:$0x18C80] =	vst v63  }
0xe2: {  	_ =	swait.ge [sflag:s23], $0x4000  }
0xe3: {  	v13 =	vor.u32 s0, v2;
	[sflag:s23] =	ssyncset.done $0x0  }
0xe4: {  	[sflag:s23] =	ssyncadd.s32 $0xFFFFC000  }
0xe5: {  	_ =	swait.ge [sflag:s24], $0x4000  }
0xe6: {  	[sflag:s24] =	ssyncset.done $0x0  }
0xe7: {  	[sflag:s24] =	ssyncadd.s32 $0xFFFFC000  }
0xe8: {  	v14 =	vld.idx.msk [tilespmem:v13+s7+$0x0], $0xffff  }
0xe9: {  	v13 =	vld.idx.msk [tilespmem:v13+s13+$0x0], $0xffff;
	_ =	sdelay $0x4  }
0xea: {  	(v2sf) =	vpush v14, $0x4  }
0xeb: {  	(v2sf) =	vpush v14, $0x0  }
0xec: {  	(v2sf) =	vpush v13, $0x4  }
0xed: {  	(v2sf) =	vpush v13, $0x0  }
0xee: {  	(v2sf) =	vpush v14, $0x8  }
0xef: {  	(v2sf) =	vpush v13, $0x8  }
0xf0: {  	(v2sf) =	vpush v13, $0xC  }
0xf1: {  	s3 =	smul.u32 $0xAB, s6;
	(v2sf) =	vpush v14, $0xC;
	_ =	sdelay $0x1  }
0xf2: {  	s3 =	sshrl.u32 s3, $0x9  }
0xf3: {  	s3 =	sand.u32 $0x7F, s3  }
0xf4: {  	s3 =	smul.u32 $0x3, s3;
	_ =	sdelay $0x1  }
0xf5: {  	s3 =	ssub.s32 s6, s3  }
0xf6: {  	s30 =	sand.u32 $0xFF, s3  }
0xf7: {  	s3 =	sshll.u32 s30, $0xE;
	s4 =	spop (v2sf)  }
0xf8: {  	v15 =	vor.u32 s3, v7;
	v13 =	vor.u32 s3, v5;
	v14 =	vor.u32 s3, v6;
	s4 =	sand.u32 $0x7F, s4;
	s5 =	spop (v2sf)  }
0xf9: {  	v16 =	vor.u32 s3, v1;
	s5 =	sand.u32 $0x7F, s5;
	v17 =	vor.u32 s4, v14;
	v18 =	vor.u32 s4, v15;
	s4 =	spop (v2sf)  }
0xfa: {  	v19 =	vor.u32 s5, v16;
	v20 =	vor.u32 s5, v13;
	s4 =	sand.u32 $0x7F, s4;
	s5 =	spop (v2sf)  }
0xfb: {  	v21 =	vor.u32 s3, v9;
	s5 =	sand.u32 $0x7F, s5;
	v14 =	vor.u32 s4, v14;
	v15 =	vor.u32 s4, v15;
	s4 =	spop (v2sf)  }
0xfc: {  	v22 =	vor.u32 s3, v8;
	v16 =	vor.u32 s5, v16;
	v13 =	vor.u32 s5, v13;
	s4 =	sand.u32 $0x7F, s4;
	s5 =	spop (v2sf)  }
0xfd: {  	v25 =	vor.u32 s3, v11;
	s5 =	sand.u32 $0x7F, s5;
	v23 =	vor.u32 s4, v22;
	v24 =	vor.u32 s4, v21;
	s4 =	spop (v2sf)  }
0xfe: {  	v26 =	vor.u32 s3, v10;
	v18 =	vld.idx.msk [tilespmem:v18+s18+$0x0], $0xffff;
	v22 =	vor.u32 s5, v22;
	v21 =	vor.u32 s5, v21;
	s4 =	sand.u32 $0x7F, s4;
	s3 =	spop (v2sf)  }
0xff: {  	v19 =	vld.idx.msk [tilespmem:v19+s18+$0x0], $0xffff;
	s3 =	sand.u32 $0x7F, s3;
	v27 =	vor.u32 s4, v26;
	v28 =	vor.u32 s4, v25  }
0x100: {  	v14 =	vld.idx.msk [tilespmem:v14+s19+$0x0], $0xffff;
	v26 =	vor.u32 s3, v26;
	v25 =	vor.u32 s3, v25  }
0x101: {  	v16 =	vld.idx.msk [tilespmem:v16+s19+$0x0], $0xffff  }
0x102: {  	v17 =	vld.idx.msk [tilespmem:v17+s18+$0x0], $0xffff  }
0x103: {  	v15 =	vld.idx.msk [tilespmem:v15+s19+$0x0], $0xffff  }
0x104: {  	v13 =	vld.idx.msk [tilespmem:v13+s19+$0x0], $0xffff  }
0x105: {  	v20 =	vld.idx.msk [tilespmem:v20+s18+$0x0], $0xffff  }
0x106: {  	v22 =	vld.idx.msk [tilespmem:v22+s19+$0x0], $0xffff  }
0x107: {  	v21 =	vld.idx.msk [tilespmem:v21+s19+$0x0], $0xffff  }
0x108: {  	v16 =	vmul.f32 v16, v19;
	v14 =	vmul.f32 v14, v17;
	v17 =	vld.idx.msk [tilespmem:v24+s18+$0x0], $0xffff  }
0x109: {  	v15 =	vmul.f32 v15, v18;
	v18 =	vld.idx.msk [tilespmem:v23+s18+$0x0], $0xffff;
	_ =	sdelay $0x1  }
0x10a: {  	v13 =	vmul.f32 v13, v20;
	v14 =	vadd.f32 v15, v14  }
0x10b: {  	v15 =	vld.idx.msk [tilespmem:v25+s18+$0x0], $0xffff  }
0x10c: {  	v13 =	vadd.f32 v13, v16;
	v16 =	vld.idx.msk [tilespmem:v26+s18+$0x0], $0xffff  }
0x10d: {  	v17 =	vmul.f32 v21, v17;
	v19 =	vld.idx.msk [tilespmem:v28+s19+$0x0], $0xffff  }
0x10e: {  	v18 =	vmul.f32 v22, v18;
	v20 =	vld.idx.msk [tilespmem:v27+s19+$0x0], $0xffff;
	(xrf2) =	vadd.scan.msk.f32 $0xffff, v13;
	_ =	sdelay $0x1  }
0x10f: {  	v13 =	vadd.f32 v17, v18  }
0x110: {  	(xrf2) =	vadd.scan.msk.f32 $0xffff, v14;
	_ =	sdelay $0x2  }
0x111: {  	v15 =	vmul.f32 v19, v15;
	v14 =	vmul.f32 v20, v16  }
0x112: {  	(xrf2) =	vadd.scan.msk.f32 $0xffff, v13  }
0x113: {  	v13 =	vadd.f32 v15, v14  }
0x114: {  	s3 =	sand.u32 $0x3, s6  }
0x115: {  	s4 =	sshll.u32 s3, $0x2;
	s5 =	sshllo.u32 s3, $0x2;
	v14, _, _ =	vpop (xrf2);
	(xrf2) =	vadd.scan.msk.f32 $0xffff, v13  }
0x116: {  	s8 =	sor.u32 $0x1, s4;
	v15 =	vmov s5;
	v13 =	vmov s4;
	s4 =	sor.u32 $0x2, s4;
	v17 =	vbroadcast v14, $0xF  }
0x117: {  	vm0 =	veq.s32 v13, v0;
	v13 =	vmov s8;
	v16 =	vmov s4  }
0x118: {  	v12 =	vsel vm0, v17, v12;
	v14, _, _ =	vpop (xrf2);
	_ =	sdelay $0x3  }
0x119: {  	p1 =	sgt.u32 s6, $0x7C;
	v17, _, _ =	vpop (xrf2)  }
0x11a: {  	v20 =	vlaneseq.u32 @!p1  }
0x11b: {  	v19 =	vshrl.u32 @!p1 v20, $0x2;
	s4 =	sadd.s32 @!p1 $0xC, s0;
	v14 =	vbroadcast v14, $0xF  }
0x11c: {  	vm0 =	veq.s32 v13, v0;
	v13 =	vbroadcast v17, $0xF;
	v17 =	vor.u32 @!p1 s4, v19;
	v18, _, _ =	vpop (xrf2)  }
0x11d: {  	v12 =	vsel vm0, v14, v12;
	vm0 =	veq.s32 v16, v0;
	v14 =	vbroadcast v18, $0xF  }
.Ltmp0:
0x11e: {  	p2 =	sne.s32 s3, $0x3;
	v12 =	vsel vm0, v13, v12;
	vm0 =	veq.s32 v15, v0;
	(pc) =	sbr.rel @p0 .LBB2_2-.Ltmp0, $4  }
0x11f: {  	p3 =	seq.s32 s3, $0x3;
	s4 =	sand.u32 @!p2 $0x1F0, s0;
	v12 =	vsel vm0, v14, v12  }
0x120: {  	s3 =	simm.s32 @!p1 $0x0;
	[tilespmem:s4+$0x18880] =	vst @!p2 v12;
	v12 =	vpsel p3, $0x0, v12  }
0x121: {  	v13 =	vld.idx.msk @!p1 [tilespmem:v17+s3+$0x0], $0xffff;
	s3 =	simm.s32 @!p1 $0x200  }
0x122: {  	v14 =	vld.idx.msk @!p1 [tilespmem:v17+s3+$0x0], $0xffff  }
0x123: {  	_ =	sdelay $0x2  }
0x124: {  	(v2sf) =	vpush @!p1 v13, $0x0  }
0x125: {  	(v2sf) =	vpush @!p1 v14, $0x0  }
0x126: {  	(v2sf) =	vpush @!p1 v13, $0x4;
	_ =	sdelay $0x1  }
0x127: {  	(v2sf) =	vpush @!p1 v14, $0x4;
	_ =	sdelay $0x1  }
0x128: {  	(v2sf) =	vpush @!p1 v13, $0x8;
	_ =	sdelay $0x1  }
0x129: {  	(v2sf) =	vpush @!p1 v14, $0x8;
	_ =	sdelay $0x1  }
0x12a: {  	(v2sf) =	vpush @!p1 v13, $0xC;
	_ =	sdelay $0x1  }
0x12b: {  	(v2sf) =	vpush @!p1 v14, $0xC  }
0x12c: {  	s0 =	sshll.u32 @!p1 s30, $0xE;
	s3 =	simm.s32 @!p1 $0x400;
	s4 =	simm.s32 @!p1 $0x7A1400  }
0x12d: {  	s5 =	sadd.s32 @!p1 $0xC400, s0;
	s6 =	sor.u32 @!p1 $0x2400, s0;
	s8 =	sadd.s32 @!p1 $0xE400, s0  }
0x12e: {  	s14 =	sor.u32 @!p1 $0x1400, s0;
	s15 =	sadd.s32 @!p1 $0xD400, s0;
	s16 =	spop @!p1 (v2sf)  }
0x12f: {  	s20 =	sor.u32 @!p1 $0x400, s0;
	s16 =	sand.u32 @!p1 $0xFFFFF80, s16;
	s21 =	spop @!p1 (v2sf)  }
0x130: {  	s16 =	sadd.s32 @!p1 s1, s16;
	s21 =	sand.u32 @!p1 $0xFFFFF80, s21;
	s22 =	spop @!p1 (v2sf)  }
0x131: {  	[tilespmem:s20], [sflag:$0x1] =	stream.strided.gather @!p1 [hbm4b:s16+s3], $0x1000, s4, s3, $0x38;
	[tilespmem:$0x18C80] =	vst v63  }
0x132: {  	s16 =	sadd.s32 @!p1 s2, s21;
	s20 =	sand.u32 @!p1 $0xFFFFF80, s22;
	s21 =	spop @!p1 (v2sf)  }
0x133: {  	[tilespmem:s5], [sflag:$0x2] =	stream.strided.gather @!p1 [hbm4b:s16+s3], $0x1000, s4, s3, $0x38;
	[tilespmem:$0x18C80] =	vst v63  }
0x134: {  	s5 =	sadd.s32 @!p1 s1, s20;
	s16 =	sand.u32 @!p1 $0xFFFFF80, s21;
	s20 =	spop @!p1 (v2sf)  }
0x135: {  	[tilespmem:s14], [sflag:$0x1] =	stream.strided.gather @!p1 [hbm4b:s5+s3], $0x1000, s4, s3, $0x38;
	[tilespmem:$0x18C80] =	vst v63  }
0x136: {  	s5 =	sadd.s32 @!p1 s2, s16;
	s14 =	sand.u32 @!p1 $0xFFFFF80, s20;
	s16 =	spop @!p1 (v2sf)  }
0x137: {  	[tilespmem:s15], [sflag:$0x2] =	stream.strided.gather @!p1 [hbm4b:s5+s3], $0x1000, s4, s3, $0x38;
	[tilespmem:$0x18C80] =	vst v63  }
0x138: {  	s5 =	sadd.s32 @!p1 s1, s14;
	s14 =	sand.u32 @!p1 $0xFFFFF80, s16;
	s15 =	spop @!p1 (v2sf)  }
0x139: {  	[tilespmem:s6], [sflag:$0x1] =	stream.strided.gather @!p1 [hbm4b:s5+s3], $0x1000, s4, s3, $0x38;
	[tilespmem:$0x18C80] =	vst v63  }
0x13a: {  	s5 =	sadd.s32 @!p1 s2, s14;
	s6 =	sand.u32 @!p1 $0xFFFFF80, s15;
	s14 =	spop @!p1 (v2sf)  }
0x13b: {  	[tilespmem:s8], [sflag:$0x2] =	stream.strided.gather @!p1 [hbm4b:s5+s3], $0x1000, s4, s3, $0x38;
	[tilespmem:$0x18C80] =	vst v63  }
0x13c: {  	s6 =	sadd.s32 @!p1 s1, s6;
	s5 =	sor.u32 @!p1 $0x3400, s0;
	s8 =	sand.u32 @!p1 $0xFFFFF80, s14  }
0x13d: {  	[tilespmem:s5], [sflag:$0x1] =	stream.strided.gather @!p1 [hbm4b:s6+s3], $0x1000, s4, s3, $0x38;
	[tilespmem:$0x18C80] =	vst v63  }
0x13e: {  	s0 =	sadd.s32 @!p1 $0xF400, s0;
	s5 =	sadd.s32 @!p1 s2, s8  }
0x13f: {  	[tilespmem:s0], [sflag:$0x2] =	stream.strided.gather @!p1 [hbm4b:s5+s3], $0x1000, s4, s3, $0x38;
	[tilespmem:$0x18C80] =	vst v63  }
0x140: {  	_ =	swait.ge [sflag:s25], $0x200  }
0x141: {  	[sflag:s25] =	ssyncset.done $0x0  }
0x142: {  	[sflag:s25] =	ssyncadd.s32 $0xFFFFFE00  }
0x143: {  	_ =	swait.ge [sflag:s26], $0x200  }
0x144: {  	[sflag:s26] =	ssyncset.done $0x0  }
0x145: {  	s0 =	simm.s32 $0x0;
	[sflag:s26] =	ssyncadd.s32 $0xFFFFFE00  }
0x146: {  	v13 =	vld [tilespmem:s0+$0x18880]  }
0x147: {  	v14 =	vld [tilespmem:s0+$0x18400];
	_ =	sdelay $0x1  }
0x148: {  	v15 =	vld [tilespmem:s0+$0x18600];
	_ =	sdelay $0x2  }
0x149: {  	s6 =	simm.s32 $0x10;
	v12 =	vld.msk [tilespmem:$0x18800 ss:$0x0], $0xffff;
	v14 =	vadd.f32 v14, v13  }
0x14a: {  	v13 =	vld [tilespmem:s6+$0x18880]  }
0x14b: {  	v16 =	vadd.f32 v15, v14;
	v15 =	vld [tilespmem:s6+$0x18400];
	_ =	sdelay $0x1  }
0x14c: {  	v14 =	vld [tilespmem:s6+$0x18600]  }
0x14d: {  	s30 =	simm.s32 $0x80;
	v16 =	vadd.f32 v16, v12  }
.LBB2_4:
0x14e: {  	s3 =	sshra.s32 s30, $0x2;
	p0 =	sne.s32 s30, $0x7C0  }
.Ltmp1:
0x14f: {  	s30 =	sadd.s32 $0x40, s30;
	v17 =	vadd.f32 v15, v13;
	v13 =	vld [tilespmem:s3+$0x18880];
	[tilespmem:s0+$0x18A80] =	vst v16;
	(pc) =	sbr.rel @p0 .LBB2_4-.Ltmp1, $4  }
0x150: {  	s0 =	smov.u32 s6;
	s6 =	smov.u32 s3;
	v15 =	vld [tilespmem:s3+$0x18400]  }
0x151: {  	v16 =	vadd.f32 v14, v17  }
0x152: {  	v14 =	vld [tilespmem:s6+$0x18600]  }
0x153: {  	v16 =	vadd.f32 v16, v12  }
0x154: {  	_ = 	snop  }
0x155: {  	v13 =	vadd.f32 v15, v13;
	_ =	sdelay $0x1  }
0x156: {  	v13 =	vadd.f32 v14, v13;
	_ =	sdelay $0x1  }
0x157: {  	s29 =	sadd.s32 $0x1, s29;
	v12 =	vadd.f32 v13, v12  }
0x158: {  	[tilespmem:s0+$0x18A80] =	vst v16;
	p0 =	sne.s32 s29, s11  }
.Ltmp2:
0x159: {  	s31 =	simm.s32 $0x18A80;
	[tilespmem:s6+$0x18A80] =	vst v12;
	(pc) =	sbr.rel @p0 .LBB2_1-.Ltmp2, $4  }
0x15a: {  	[hbm4b:s10+s7] =	stream.linear.scatter [tilespmem:s31], [sflag:$0x5], $0x200, $0x38;
	[tilespmem:$0x18C80] =	vst v63  }
0x15b: {  	_ =	swait.ge [sflag:s12], $0x200  }
0x15c: {  	[sflag:s12] =	ssyncset.done $0x0  }
0x15d: {  	[sflag:s12] =	ssyncadd.s32 $0xFFFFFE00  }
0x15e: {  	_ =	sfence.sel $0x180000  }
0x15f: {  	[bflag:$0x0] =	sbarrier.arrive $0xFFFF  }
0x160: {  	_ =	strace $0x90000047  }
0x161: {  	s0 =	stileid.u32;
	[bflag:$0x2] =	sbarrier.arrive $0xFFFF  }
0x162: {  	p0 =	sne.s32 s0, $0x0;
	s0 =	rddreg [dreg:$0x8]  }
0x163: {  	s0 =	sadd.s32 @!p0 $0x100000, s0  }
0x164: {  	[sflag:s0] =	ssyncadd.tile.s32 @!p0 $0x1;
	_ =	shalt  }
.Lfunc_end2:
_tile_overlayer_lowered:
.L_overlay_start_2:
0x165: {  	(tag) =	ssettag $0x2  }
0x166: {  	s0 =	rddreg [dreg:$0x0];
	s2 =	stileid.u32  }
0x167: {  	s1 =	rddreg [dreg:$0x1];
	p0 =	sne.s32 s2, $0x0  }
0x168: {  	s3 =	rddreg [dreg:$0x2];
	[bflag:$0x3] =	sbarrier.arrive $0xFFFF;
	s2 =	simm.s32 @!p0 $0x1C05  }
0x169: {  	[timem:s3], [sflag:s2] =	dma.local @!p0 [hbm:s0], s1  }
0x16a: {  	s0 =	simm.s32 @!p0 $0x5  }
0x16b: {  	_ =	swait.ge @!p0 [sflag:s0], s1  }
0x16c: {  	s1 =	ssub.s32 @!p0 $0x0, s1;
	[sflag:s0] =	ssyncset.done @!p0 $0x0  }
0x16d: {  	[sflag:s0] =	ssyncadd.s32 @!p0 s1  }
0x16e: {  	[bflag:$0x3] =	sbarrier.arrive $0xFFFF  }
0x16f: {  	_ =	shalt  }

</sc_bundles>
